<compile_context>
chip_gen: v7x
topology: tpu7x:2x2x1
jax: 0.10.2.dev20260603
libtpu: 0.0.44.dev20260713+nightly
codegen_flags: <defaults>
</compile_context>

<pallas_src>
import functools

import jax
import jax.numpy as jnp
from jax import lax
from jax.experimental import pallas as pl
from jax.experimental.pallas import tpu as pltpu
from jax.experimental.pallas import tpu_sc as plsc

_CHUNK = 32
_NBUF = 3


@functools.lru_cache(maxsize=None)
def _make_sc_broadcast(B, S, D, dtype):
    info = plsc.get_sparse_core_info()
    nc, ns = info.num_cores, info.num_subcores
    nw = nc * ns
    assert S % (nw * _CHUNK) == 0
    rows_per_w = S // nw
    nchunks = rows_per_w // _CHUNK
    mesh = plsc.VectorSubcoreMesh(core_axis_name="c", subcore_axis_name="s")

    @functools.partial(
        pl.kernel,
        out_type=jax.ShapeDtypeStruct((B, S, D), dtype),
        mesh=mesh,
        scratch_types=[
            pltpu.VMEM_SHARED((ns, _NBUF, _CHUNK, D), dtype),
            pltpu.SemaphoreType.DMA,
            pltpu.SemaphoreType.DMA,
        ],
    )
    def k(table_hbm, out_hbm, buf, rsem, wsem):
        sid = lax.axis_index("s")
        wid = sid * nc + lax.axis_index("c")
        base = wid * rows_per_w

        def read(i):
            return pltpu.async_copy(
                table_hbm.at[pl.ds(base + i * _CHUNK, _CHUNK)],
                buf.at[sid, i % _NBUF],
                rsem,
            )

        def write(i):
            return [
                pltpu.async_copy(
                    buf.at[sid, i % _NBUF],
                    out_hbm.at[b, pl.ds(base + i * _CHUNK, _CHUNK)],
                    wsem,
                )
                for b in range(B)
            ]

        writes = {}
        rd = read(0)
        for i in range(nchunks):
            if i + 1 < nchunks:
                if i + 1 - _NBUF >= 0:
                    for c in writes.pop(i + 1 - _NBUF):
                        c.wait()
                nxt = read(i + 1)
            rd.wait()
            writes[i] = write(i)
            if i + 1 < nchunks:
                rd = nxt
        for ws in writes.values():
            for c in ws:
                c.wait()

    return k


def kernel(x, pos_emb):
    B, S = x.shape
    M, D = pos_emb.shape
    assert S <= M
    return _make_sc_broadcast(B, S, D, pos_emb.dtype)(pos_emb)

# --- scband reference (transcript-rebuilt; emitter-appended) ---
"""Pipeline reference for scband-positional-embedding-81295140978858 (READ-ONLY COPY).

The authoritative reference and input builder live on the scoring server;
editing this copy changes nothing except your own understanding.
"""

import jax, jax.numpy as jnp
import numpy as np

MAX_LEN = 8192
D_MODEL = 1024
BATCH = 4
SEQ_LEN = 8192


def setup_inputs(seed: int = 0) -> dict:
    key = jax.random.key(seed)
    k1, k2 = jax.random.split(key)
    # token indices; values are irrelevant to the output (only the shape is used)
    x = jax.random.randint(k1, (BATCH, SEQ_LEN), 0, 32000)
    # learned positional embedding table (Embedding layer params)
    pos_emb = jax.random.normal(k2, (MAX_LEN, D_MODEL), dtype=jnp.float32) * 0.02
    return {"x": x, "pos_emb": pos_emb}


def reference(x, pos_emb):
    batch_size = x.shape[0]
    seq_len = x.shape[1]
    positions = jnp.arange(seq_len)
    positions = jnp.minimum(positions, MAX_LEN - 1)
    positions = positions[None, :]
    positions = jnp.broadcast_to(positions, (batch_size, seq_len))  # tf.tile
    pos_embeddings = jnp.take(pos_emb, positions, axis=0)  # embedding lookup -> [B, S, D]
    return pos_embeddings

if __name__ == "__main__":
    import jax
    _d = setup_inputs()
    print(jax.jit(kernel)(*tuple(_d.values())))

</pallas_src>

<mosaic_0001>
#map = affine_map<(d0, d1) -> (0, 0)>
#map1 = affine_map<(d0, d1) -> (0, 0, 0)>
module attributes {stable_mosaic.version = 14 : i64} {
  func.func @k(%arg0: i32, %arg1: i32, %arg2: memref<8192x1024xf32, #tpu.memory_space<hbm>>, %arg3: memref<4x8192x1024xf32, #tpu.memory_space<hbm>>, %arg4: memref<16x3x32x1024xf32, #tpu.memory_space<vmem_shared>>, %arg5: memref<!tpu.dma_semaphore, #tpu.memory_space<semaphore_mem>>, %arg6: memref<!tpu.dma_semaphore, #tpu.memory_space<semaphore_mem>>) attributes {dimension_semantics = [#tpu.dimension_semantics<core_parallel>, #tpu.dimension_semantics<subcore_parallel>], iteration_bounds = array<i64: 2, 16>, scalar_prefetch = 0 : i64, scratch_operands = 3 : i64, tpu.core_type = #tpu.core_type<sc_vector_subcore>, window_params = [{transform_indices = #map}, {transform_indices = #map1}]} {
    %mul3A = arith.constant 2 : i32
    %mul3A_0 = arith.muli %arg1, %mul3A : i32
    %add3A = arith.addi %mul3A_0, %arg0 : i32
    %mul3A_1 = arith.constant 256 : i32
    %mul3A_2 = arith.muli %add3A, %mul3A_1 : i32
    %add3A_3 = arith.constant 0 : i32
    %add3A_4 = arith.addi %mul3A_2, %add3A_3 : i32
    %dma_start3A = arith.constant 0 : i32
    %dma_start3A_5 = arith.constant 0 : i32
    %dma_start3A_6 = arith.constant 0 : i32
    %dma_start3A_7 = tpu.memref_slice %arg4[%arg1, %dma_start3A, %dma_start3A_5, %dma_start3A_6] : memref<16x3x32x1024xf32, #tpu.memory_space<vmem_shared>> -> memref<1x1x32x1024xf32, #tpu.memory_space<vmem_shared>>
    %dma_start3A_8 = tpu.memref_squeeze %dma_start3A_7 : memref<1x1x32x1024xf32, #tpu.memory_space<vmem_shared>> -> memref<32x1024xf32, #tpu.memory_space<vmem_shared>>
    %dma_start3A_9 = arith.constant 0 : i32
    %dma_start3A_10 = tpu.memref_slice %arg2[%add3A_4, %dma_start3A_9] : memref<8192x1024xf32, #tpu.memory_space<hbm>> -> memref<32x1024xf32, #tpu.memory_space<hbm>>
    tpu.enqueue_dma source(%dma_start3A_10 : memref<32x1024xf32, #tpu.memory_space<hbm>>) target(%dma_start3A_8 : memref<32x1024xf32, #tpu.memory_space<vmem_shared>>) target_semaphore(%arg5 : memref<!tpu.dma_semaphore, #tpu.memory_space<semaphore_mem>>)
    %add3A_11 = arith.constant 32 : i32
    %add3A_12 = arith.addi %mul3A_2, %add3A_11 : i32
    %dma_start3A_13 = arith.constant 1 : i32
    %dma_start3A_14 = arith.constant 0 : i32
    %dma_start3A_15 = arith.constant 0 : i32
    %dma_start3A_16 = tpu.memref_slice %arg4[%arg1, %dma_start3A_13, %dma_start3A_14, %dma_start3A_15] : memref<16x3x32x1024xf32, #tpu.memory_space<vmem_shared>> -> memref<1x1x32x1024xf32, #tpu.memory_space<vmem_shared>>
    %dma_start3A_17 = tpu.memref_squeeze %dma_start3A_16 : memref<1x1x32x1024xf32, #tpu.memory_space<vmem_shared>> -> memref<32x1024xf32, #tpu.memory_space<vmem_shared>>
    %dma_start3A_18 = arith.constant 0 : i32
    %dma_start3A_19 = tpu.memref_slice %arg2[%add3A_12, %dma_start3A_18] : memref<8192x1024xf32, #tpu.memory_space<hbm>> -> memref<32x1024xf32, #tpu.memory_space<hbm>>
    tpu.enqueue_dma source(%dma_start3A_19 : memref<32x1024xf32, #tpu.memory_space<hbm>>) target(%dma_start3A_17 : memref<32x1024xf32, #tpu.memory_space<vmem_shared>>) target_semaphore(%arg5 : memref<!tpu.dma_semaphore, #tpu.memory_space<semaphore_mem>>)
    %dma_wait3A = arith.constant 0 : i32
    %dma_wait3A_20 = arith.constant 0 : i32
    %dma_wait3A_21 = arith.constant 0 : i32
    %dma_wait3A_22 = tpu.memref_slice %arg4[%arg1, %dma_wait3A, %dma_wait3A_20, %dma_wait3A_21] : memref<16x3x32x1024xf32, #tpu.memory_space<vmem_shared>> -> memref<1x1x32x1024xf32, #tpu.memory_space<vmem_shared>>
    %dma_wait3A_23 = tpu.memref_squeeze %dma_wait3A_22 : memref<1x1x32x1024xf32, #tpu.memory_space<vmem_shared>> -> memref<32x1024xf32, #tpu.memory_space<vmem_shared>>
    %dma_wait3A_24 = arith.constant 0 : i32
    %dma_wait3A_25 = tpu.memref_slice %arg2[%add3A_4, %dma_wait3A_24] : memref<8192x1024xf32, #tpu.memory_space<hbm>> -> memref<32x1024xf32, #tpu.memory_space<hbm>>
    tpu.wait_dma2 semaphore(%arg5 : memref<!tpu.dma_semaphore, #tpu.memory_space<semaphore_mem>>) src(%dma_wait3A_25 : memref<32x1024xf32, #tpu.memory_space<hbm>>) dst(%dma_wait3A_23 : memref<32x1024xf32, #tpu.memory_space<vmem_shared>>)
    %add3A_26 = arith.constant 0 : i32
    %add3A_27 = arith.addi %mul3A_2, %add3A_26 : i32
    %dma_start3A_28 = arith.constant 0 : i32
    %dma_start3A_29 = arith.constant 0 : i32
    %dma_start3A_30 = arith.constant 0 : i32
    %dma_start3A_31 = tpu.memref_slice %arg3[%dma_start3A_29, %add3A_27, %dma_start3A_30] : memref<4x8192x1024xf32, #tpu.memory_space<hbm>> -> memref<1x32x1024xf32, #tpu.memory_space<hbm>>
    %dma_start3A_32 = tpu.memref_squeeze %dma_start3A_31 : memref<1x32x1024xf32, #tpu.memory_space<hbm>> -> memref<32x1024xf32, #tpu.memory_space<hbm>>
    %dma_start3A_33 = arith.constant 0 : i32
    %dma_start3A_34 = arith.constant 0 : i32
    %dma_start3A_35 = tpu.memref_slice %arg4[%arg1, %dma_start3A_28, %dma_start3A_33, %dma_start3A_34] : memref<16x3x32x1024xf32, #tpu.memory_space<vmem_shared>> -> memref<1x1x32x1024xf32, #tpu.memory_space<vmem_shared>>
    %dma_start3A_36 = tpu.memref_squeeze %dma_start3A_35 : memref<1x1x32x1024xf32, #tpu.memory_space<vmem_shared>> -> memref<32x1024xf32, #tpu.memory_space<vmem_shared>>
    tpu.enqueue_dma source(%dma_start3A_36 : memref<32x1024xf32, #tpu.memory_space<vmem_shared>>) target(%dma_start3A_32 : memref<32x1024xf32, #tpu.memory_space<hbm>>) target_semaphore(%arg6 : memref<!tpu.dma_semaphore, #tpu.memory_space<semaphore_mem>>)
    %add3A_37 = arith.constant 0 : i32
    %add3A_38 = arith.addi %mul3A_2, %add3A_37 : i32
    %dma_start3A_39 = arith.constant 0 : i32
    %dma_start3A_40 = arith.constant 1 : i32
    %dma_start3A_41 = arith.constant 0 : i32
    %dma_start3A_42 = tpu.memref_slice %arg3[%dma_start3A_40, %add3A_38, %dma_start3A_41] : memref<4x8192x1024xf32, #tpu.memory_space<hbm>> -> memref<1x32x1024xf32, #tpu.memory_space<hbm>>
    %dma_start3A_43 = tpu.memref_squeeze %dma_start3A_42 : memref<1x32x1024xf32, #tpu.memory_space<hbm>> -> memref<32x1024xf32, #tpu.memory_space<hbm>>
    %dma_start3A_44 = arith.constant 0 : i32
    %dma_start3A_45 = arith.constant 0 : i32
    %dma_start3A_46 = tpu.memref_slice %arg4[%arg1, %dma_start3A_39, %dma_start3A_44, %dma_start3A_45] : memref<16x3x32x1024xf32, #tpu.memory_space<vmem_shared>> -> memref<1x1x32x1024xf32, #tpu.memory_space<vmem_shared>>
    %dma_start3A_47 = tpu.memref_squeeze %dma_start3A_46 : memref<1x1x32x1024xf32, #tpu.memory_space<vmem_shared>> -> memref<32x1024xf32, #tpu.memory_space<vmem_shared>>
    tpu.enqueue_dma source(%dma_start3A_47 : memref<32x1024xf32, #tpu.memory_space<vmem_shared>>) target(%dma_start3A_43 : memref<32x1024xf32, #tpu.memory_space<hbm>>) target_semaphore(%arg6 : memref<!tpu.dma_semaphore, #tpu.memory_space<semaphore_mem>>)
    %add3A_48 = arith.constant 0 : i32
    %add3A_49 = arith.addi %mul3A_2, %add3A_48 : i32
    %dma_start3A_50 = arith.constant 0 : i32
    %dma_start3A_51 = arith.constant 2 : i32
    %dma_start3A_52 = arith.constant 0 : i32
    %dma_start3A_53 = tpu.memref_slice %arg3[%dma_start3A_51, %add3A_49, %dma_start3A_52] : memref<4x8192x1024xf32, #tpu.memory_space<hbm>> -> memref<1x32x1024xf32, #tpu.memory_space<hbm>>
    %dma_start3A_54 = tpu.memref_squeeze %dma_start3A_53 : memref<1x32x1024xf32, #tpu.memory_space<hbm>> -> memref<32x1024xf32, #tpu.memory_space<hbm>>
    %dma_start3A_55 = arith.constant 0 : i32
    %dma_start3A_56 = arith.constant 0 : i32
    %dma_start3A_57 = tpu.memref_slice %arg4[%arg1, %dma_start3A_50, %dma_start3A_55, %dma_start3A_56] : memref<16x3x32x1024xf32, #tpu.memory_space<vmem_shared>> -> memref<1x1x32x1024xf32, #tpu.memory_space<vmem_shared>>
    %dma_start3A_58 = tpu.memref_squeeze %dma_start3A_57 : memref<1x1x32x1024xf32, #tpu.memory_space<vmem_shared>> -> memref<32x1024xf32, #tpu.memory_space<vmem_shared>>
    tpu.enqueue_dma source(%dma_start3A_58 : memref<32x1024xf32, #tpu.memory_space<vmem_shared>>) target(%dma_start3A_54 : memref<32x1024xf32, #tpu.memory_space<hbm>>) target_semaphore(%arg6 : memref<!tpu.dma_semaphore, #tpu.memory_space<semaphore_mem>>)
    %add3A_59 = arith.constant 0 : i32
    %add3A_60 = arith.addi %mul3A_2, %add3A_59 : i32
    %dma_start3A_61 = arith.constant 0 : i32
    %dma_start3A_62 = arith.constant 3 : i32
    %dma_start3A_63 = arith.constant 0 : i32
    %dma_start3A_64 = tpu.memref_slice %arg3[%dma_start3A_62, %add3A_60, %dma_start3A_63] : memref<4x8192x1024xf32, #tpu.memory_space<hbm>> -> memref<1x32x1024xf32, #tpu.memory_space<hbm>>
    %dma_start3A_65 = tpu.memref_squeeze %dma_start3A_64 : memref<1x32x1024xf32, #tpu.memory_space<hbm>> -> memref<32x1024xf32, #tpu.memory_space<hbm>>
    %dma_start3A_66 = arith.constant 0 : i32
    %dma_start3A_67 = arith.constant 0 : i32
    %dma_start3A_68 = tpu.memref_slice %arg4[%arg1, %dma_start3A_61, %dma_start3A_66, %dma_start3A_67] : memref<16x3x32x1024xf32, #tpu.memory_space<vmem_shared>> -> memref<1x1x32x1024xf32, #tpu.memory_space<vmem_shared>>
    %dma_start3A_69 = tpu.memref_squeeze %dma_start3A_68 : memref<1x1x32x1024xf32, #tpu.memory_space<vmem_shared>> -> memref<32x1024xf32, #tpu.memory_space<vmem_shared>>
    tpu.enqueue_dma source(%dma_start3A_69 : memref<32x1024xf32, #tpu.memory_space<vmem_shared>>) target(%dma_start3A_65 : memref<32x1024xf32, #tpu.memory_space<hbm>>) target_semaphore(%arg6 : memref<!tpu.dma_semaphore, #tpu.memory_space<semaphore_mem>>)
    %add3A_70 = arith.constant 64 : i32
    %add3A_71 = arith.addi %mul3A_2, %add3A_70 : i32
    %dma_start3A_72 = arith.constant 2 : i32
    %dma_start3A_73 = arith.constant 0 : i32
    %dma_start3A_74 = arith.constant 0 : i32
    %dma_start3A_75 = tpu.memref_slice %arg4[%arg1, %dma_start3A_72, %dma_start3A_73, %dma_start3A_74] : memref<16x3x32x1024xf32, #tpu.memory_space<vmem_shared>> -> memref<1x1x32x1024xf32, #tpu.memory_space<vmem_shared>>
    %dma_start3A_76 = tpu.memref_squeeze %dma_start3A_75 : memref<1x1x32x1024xf32, #tpu.memory_space<vmem_shared>> -> memref<32x1024xf32, #tpu.memory_space<vmem_shared>>
    %dma_start3A_77 = arith.constant 0 : i32
    %dma_start3A_78 = tpu.memref_slice %arg2[%add3A_71, %dma_start3A_77] : memref<8192x1024xf32, #tpu.memory_space<hbm>> -> memref<32x1024xf32, #tpu.memory_space<hbm>>
    tpu.enqueue_dma source(%dma_start3A_78 : memref<32x1024xf32, #tpu.memory_space<hbm>>) target(%dma_start3A_76 : memref<32x1024xf32, #tpu.memory_space<vmem_shared>>) target_semaphore(%arg5 : memref<!tpu.dma_semaphore, #tpu.memory_space<semaphore_mem>>)
    %dma_wait3A_79 = arith.constant 1 : i32
    %dma_wait3A_80 = arith.constant 0 : i32
    %dma_wait3A_81 = arith.constant 0 : i32
    %dma_wait3A_82 = tpu.memref_slice %arg4[%arg1, %dma_wait3A_79, %dma_wait3A_80, %dma_wait3A_81] : memref<16x3x32x1024xf32, #tpu.memory_space<vmem_shared>> -> memref<1x1x32x1024xf32, #tpu.memory_space<vmem_shared>>
    %dma_wait3A_83 = tpu.memref_squeeze %dma_wait3A_82 : memref<1x1x32x1024xf32, #tpu.memory_space<vmem_shared>> -> memref<32x1024xf32, #tpu.memory_space<vmem_shared>>
    %dma_wait3A_84 = arith.constant 0 : i32
    %dma_wait3A_85 = tpu.memref_slice %arg2[%add3A_12, %dma_wait3A_84] : memref<8192x1024xf32, #tpu.memory_space<hbm>> -> memref<32x1024xf32, #tpu.memory_space<hbm>>
    tpu.wait_dma2 semaphore(%arg5 : memref<!tpu.dma_semaphore, #tpu.memory_space<semaphore_mem>>) src(%dma_wait3A_85 : memref<32x1024xf32, #tpu.memory_space<hbm>>) dst(%dma_wait3A_83 : memref<32x1024xf32, #tpu.memory_space<vmem_shared>>)
    %add3A_86 = arith.constant 32 : i32
    %add3A_87 = arith.addi %mul3A_2, %add3A_86 : i32
    %dma_start3A_88 = arith.constant 1 : i32
    %dma_start3A_89 = arith.constant 0 : i32
    %dma_start3A_90 = arith.constant 0 : i32
    %dma_start3A_91 = tpu.memref_slice %arg3[%dma_start3A_89, %add3A_87, %dma_start3A_90] : memref<4x8192x1024xf32, #tpu.memory_space<hbm>> -> memref<1x32x1024xf32, #tpu.memory_space<hbm>>
    %dma_start3A_92 = tpu.memref_squeeze %dma_start3A_91 : memref<1x32x1024xf32, #tpu.memory_space<hbm>> -> memref<32x1024xf32, #tpu.memory_space<hbm>>
    %dma_start3A_93 = arith.constant 0 : i32
    %dma_start3A_94 = arith.constant 0 : i32
    %dma_start3A_95 = tpu.memref_slice %arg4[%arg1, %dma_start3A_88, %dma_start3A_93, %dma_start3A_94] : memref<16x3x32x1024xf32, #tpu.memory_space<vmem_shared>> -> memref<1x1x32x1024xf32, #tpu.memory_space<vmem_shared>>
    %dma_start3A_96 = tpu.memref_squeeze %dma_start3A_95 : memref<1x1x32x1024xf32, #tpu.memory_space<vmem_shared>> -> memref<32x1024xf32, #tpu.memory_space<vmem_shared>>
    tpu.enqueue_dma source(%dma_start3A_96 : memref<32x1024xf32, #tpu.memory_space<vmem_shared>>) target(%dma_start3A_92 : memref<32x1024xf32, #tpu.memory_space<hbm>>) target_semaphore(%arg6 : memref<!tpu.dma_semaphore, #tpu.memory_space<semaphore_mem>>)
    %add3A_97 = arith.constant 32 : i32
    %add3A_98 = arith.addi %mul3A_2, %add3A_97 : i32
    %dma_start3A_99 = arith.constant 1 : i32
    %dma_start3A_100 = arith.constant 1 : i32
    %dma_start3A_101 = arith.constant 0 : i32
    %dma_start3A_102 = tpu.memref_slice %arg3[%dma_start3A_100, %add3A_98, %dma_start3A_101] : memref<4x8192x1024xf32, #tpu.memory_space<hbm>> -> memref<1x32x1024xf32, #tpu.memory_space<hbm>>
    %dma_start3A_103 = tpu.memref_squeeze %dma_start3A_102 : memref<1x32x1024xf32, #tpu.memory_space<hbm>> -> memref<32x1024xf32, #tpu.memory_space<hbm>>
    %dma_start3A_104 = arith.constant 0 : i32
    %dma_start3A_105 = arith.constant 0 : i32
    %dma_start3A_106 = tpu.memref_slice %arg4[%arg1, %dma_start3A_99, %dma_start3A_104, %dma_start3A_105] : memref<16x3x32x1024xf32, #tpu.memory_space<vmem_shared>> -> memref<1x1x32x1024xf32, #tpu.memory_space<vmem_shared>>
    %dma_start3A_107 = tpu.memref_squeeze %dma_start3A_106 : memref<1x1x32x1024xf32, #tpu.memory_space<vmem_shared>> -> memref<32x1024xf32, #tpu.memory_space<vmem_shared>>
    tpu.enqueue_dma source(%dma_start3A_107 : memref<32x1024xf32, #tpu.memory_space<vmem_shared>>) target(%dma_start3A_103 : memref<32x1024xf32, #tpu.memory_space<hbm>>) target_semaphore(%arg6 : memref<!tpu.dma_semaphore, #tpu.memory_space<semaphore_mem>>)
    %add3A_108 = arith.constant 32 : i32
    %add3A_109 = arith.addi %mul3A_2, %add3A_108 : i32
    %dma_start3A_110 = arith.constant 1 : i32
    %dma_start3A_111 = arith.constant 2 : i32
    %dma_start3A_112 = arith.constant 0 : i32
    %dma_start3A_113 = tpu.memref_slice %arg3[%dma_start3A_111, %add3A_109, %dma_start3A_112] : memref<4x8192x1024xf32, #tpu.memory_space<hbm>> -> memref<1x32x1024xf32, #tpu.memory_space<hbm>>
    %dma_start3A_114 = tpu.memref_squeeze %dma_start3A_113 : memref<1x32x1024xf32, #tpu.memory_space<hbm>> -> memref<32x1024xf32, #tpu.memory_space<hbm>>
    %dma_start3A_115 = arith.constant 0 : i32
    %dma_start3A_116 = arith.constant 0 : i32
    %dma_start3A_117 = tpu.memref_slice %arg4[%arg1, %dma_start3A_110, %dma_start3A_115, %dma_start3A_116] : memref<16x3x32x1024xf32, #tpu.memory_space<vmem_shared>> -> memref<1x1x32x1024xf32, #tpu.memory_space<vmem_shared>>
    %dma_start3A_118 = tpu.memref_squeeze %dma_start3A_117 : memref<1x1x32x1024xf32, #tpu.memory_space<vmem_shared>> -> memref<32x1024xf32, #tpu.memory_space<vmem_shared>>
    tpu.enqueue_dma source(%dma_start3A_118 : memref<32x1024xf32, #tpu.memory_space<vmem_shared>>) target(%dma_start3A_114 : memref<32x1024xf32, #tpu.memory_space<hbm>>) target_semaphore(%arg6 : memref<!tpu.dma_semaphore, #tpu.memory_space<semaphore_mem>>)
    %add3A_119 = arith.constant 32 : i32
    %add3A_120 = arith.addi %mul3A_2, %add3A_119 : i32
    %dma_start3A_121 = arith.constant 1 : i32
    %dma_start3A_122 = arith.constant 3 : i32
    %dma_start3A_123 = arith.constant 0 : i32
    %dma_start3A_124 = tpu.memref_slice %arg3[%dma_start3A_122, %add3A_120, %dma_start3A_123] : memref<4x8192x1024xf32, #tpu.memory_space<hbm>> -> memref<1x32x1024xf32, #tpu.memory_space<hbm>>
    %dma_start3A_125 = tpu.memref_squeeze %dma_start3A_124 : memref<1x32x1024xf32, #tpu.memory_space<hbm>> -> memref<32x1024xf32, #tpu.memory_space<hbm>>
    %dma_start3A_126 = arith.constant 0 : i32
    %dma_start3A_127 = arith.constant 0 : i32
    %dma_start3A_128 = tpu.memref_slice %arg4[%arg1, %dma_start3A_121, %dma_start3A_126, %dma_start3A_127] : memref<16x3x32x1024xf32, #tpu.memory_space<vmem_shared>> -> memref<1x1x32x1024xf32, #tpu.memory_space<vmem_shared>>
    %dma_start3A_129 = tpu.memref_squeeze %dma_start3A_128 : memref<1x1x32x1024xf32, #tpu.memory_space<vmem_shared>> -> memref<32x1024xf32, #tpu.memory_space<vmem_shared>>
    tpu.enqueue_dma source(%dma_start3A_129 : memref<32x1024xf32, #tpu.memory_space<vmem_shared>>) target(%dma_start3A_125 : memref<32x1024xf32, #tpu.memory_space<hbm>>) target_semaphore(%arg6 : memref<!tpu.dma_semaphore, #tpu.memory_space<semaphore_mem>>)
    %dma_wait3A_130 = arith.constant 0 : i32
    %dma_wait3A_131 = arith.constant 0 : i32
    %dma_wait3A_132 = arith.constant 0 : i32
    %dma_wait3A_133 = tpu.memref_slice %arg3[%dma_wait3A_131, %add3A_27, %dma_wait3A_132] : memref<4x8192x1024xf32, #tpu.memory_space<hbm>> -> memref<1x32x1024xf32, #tpu.memory_space<hbm>>
    %dma_wait3A_134 = tpu.memref_squeeze %dma_wait3A_133 : memref<1x32x1024xf32, #tpu.memory_space<hbm>> -> memref<32x1024xf32, #tpu.memory_space<hbm>>
    %dma_wait3A_135 = arith.constant 0 : i32
    %dma_wait3A_136 = arith.constant 0 : i32
    %dma_wait3A_137 = tpu.memref_slice %arg4[%arg1, %dma_wait3A_130, %dma_wait3A_135, %dma_wait3A_136] : memref<16x3x32x1024xf32, #tpu.memory_space<vmem_shared>> -> memref<1x1x32x1024xf32, #tpu.memory_space<vmem_shared>>
    %dma_wait3A_138 = tpu.memref_squeeze %dma_wait3A_137 : memref<1x1x32x1024xf32, #tpu.memory_space<vmem_shared>> -> memref<32x1024xf32, #tpu.memory_space<vmem_shared>>
    tpu.wait_dma2 semaphore(%arg6 : memref<!tpu.dma_semaphore, #tpu.memory_space<semaphore_mem>>) src(%dma_wait3A_138 : memref<32x1024xf32, #tpu.memory_space<vmem_shared>>) dst(%dma_wait3A_134 : memref<32x1024xf32, #tpu.memory_space<hbm>>)
    %dma_wait3A_139 = arith.constant 0 : i32
    %dma_wait3A_140 = arith.constant 1 : i32
    %dma_wait3A_141 = arith.constant 0 : i32
    %dma_wait3A_142 = tpu.memref_slice %arg3[%dma_wait3A_140, %add3A_38, %dma_wait3A_141] : memref<4x8192x1024xf32, #tpu.memory_space<hbm>> -> memref<1x32x1024xf32, #tpu.memory_space<hbm>>
    %dma_wait3A_143 = tpu.memref_squeeze %dma_wait3A_142 : memref<1x32x1024xf32, #tpu.memory_space<hbm>> -> memref<32x1024xf32, #tpu.memory_space<hbm>>
    %dma_wait3A_144 = arith.constant 0 : i32
    %dma_wait3A_145 = arith.constant 0 : i32
    %dma_wait3A_146 = tpu.memref_slice %arg4[%arg1, %dma_wait3A_139, %dma_wait3A_144, %dma_wait3A_145] : memref<16x3x32x1024xf32, #tpu.memory_space<vmem_shared>> -> memref<1x1x32x1024xf32, #tpu.memory_space<vmem_shared>>
    %dma_wait3A_147 = tpu.memref_squeeze %dma_wait3A_146 : memref<1x1x32x1024xf32, #tpu.memory_space<vmem_shared>> -> memref<32x1024xf32, #tpu.memory_space<vmem_shared>>
    tpu.wait_dma2 semaphore(%arg6 : memref<!tpu.dma_semaphore, #tpu.memory_space<semaphore_mem>>) src(%dma_wait3A_147 : memref<32x1024xf32, #tpu.memory_space<vmem_shared>>) dst(%dma_wait3A_143 : memref<32x1024xf32, #tpu.memory_space<hbm>>)
    %dma_wait3A_148 = arith.constant 0 : i32
    %dma_wait3A_149 = arith.constant 2 : i32
    %dma_wait3A_150 = arith.constant 0 : i32
    %dma_wait3A_151 = tpu.memref_slice %arg3[%dma_wait3A_149, %add3A_49, %dma_wait3A_150] : memref<4x8192x1024xf32, #tpu.memory_space<hbm>> -> memref<1x32x1024xf32, #tpu.memory_space<hbm>>
    %dma_wait3A_152 = tpu.memref_squeeze %dma_wait3A_151 : memref<1x32x1024xf32, #tpu.memory_space<hbm>> -> memref<32x1024xf32, #tpu.memory_space<hbm>>
    %dma_wait3A_153 = arith.constant 0 : i32
    %dma_wait3A_154 = arith.constant 0 : i32
    %dma_wait3A_155 = tpu.memref_slice %arg4[%arg1, %dma_wait3A_148, %dma_wait3A_153, %dma_wait3A_154] : memref<16x3x32x1024xf32, #tpu.memory_space<vmem_shared>> -> memref<1x1x32x1024xf32, #tpu.memory_space<vmem_shared>>
    %dma_wait3A_156 = tpu.memref_squeeze %dma_wait3A_155 : memref<1x1x32x1024xf32, #tpu.memory_space<vmem_shared>> -> memref<32x1024xf32, #tpu.memory_space<vmem_shared>>
    tpu.wait_dma2 semaphore(%arg6 : memref<!tpu.dma_semaphore, #tpu.memory_space<semaphore_mem>>) src(%dma_wait3A_156 : memref<32x1024xf32, #tpu.memory_space<vmem_shared>>) dst(%dma_wait3A_152 : memref<32x1024xf32, #tpu.memory_space<hbm>>)
    %dma_wait3A_157 = arith.constant 0 : i32
    %dma_wait3A_158 = arith.constant 3 : i32
    %dma_wait3A_159 = arith.constant 0 : i32
    %dma_wait3A_160 = tpu.memref_slice %arg3[%dma_wait3A_158, %add3A_60, %dma_wait3A_159] : memref<4x8192x1024xf32, #tpu.memory_space<hbm>> -> memref<1x32x1024xf32, #tpu.memory_space<hbm>>
    %dma_wait3A_161 = tpu.memref_squeeze %dma_wait3A_160 : memref<1x32x1024xf32, #tpu.memory_space<hbm>> -> memref<32x1024xf32, #tpu.memory_space<hbm>>
    %dma_wait3A_162 = arith.constant 0 : i32
    %dma_wait3A_163 = arith.constant 0 : i32
    %dma_wait3A_164 = tpu.memref_slice %arg4[%arg1, %dma_wait3A_157, %dma_wait3A_162, %dma_wait3A_163] : memref<16x3x32x1024xf32, #tpu.memory_space<vmem_shared>> -> memref<1x1x32x1024xf32, #tpu.memory_space<vmem_shared>>
    %dma_wait3A_165 = tpu.memref_squeeze %dma_wait3A_164 : memref<1x1x32x1024xf32, #tpu.memory_space<vmem_shared>> -> memref<32x1024xf32, #tpu.memory_space<vmem_shared>>
    tpu.wait_dma2 semaphore(%arg6 : memref<!tpu.dma_semaphore, #tpu.memory_space<semaphore_mem>>) src(%dma_wait3A_165 : memref<32x1024xf32, #tpu.memory_space<vmem_shared>>) dst(%dma_wait3A_161 : memref<32x1024xf32, #tpu.memory_space<hbm>>)
    %add3A_166 = arith.constant 96 : i32
    %add3A_167 = arith.addi %mul3A_2, %add3A_166 : i32
    %dma_start3A_168 = arith.constant 0 : i32
    %dma_start3A_169 = arith.constant 0 : i32
    %dma_start3A_170 = arith.constant 0 : i32
    %dma_start3A_171 = tpu.memref_slice %arg4[%arg1, %dma_start3A_168, %dma_start3A_169, %dma_start3A_170] : memref<16x3x32x1024xf32, #tpu.memory_space<vmem_shared>> -> memref<1x1x32x1024xf32, #tpu.memory_space<vmem_shared>>
    %dma_start3A_172 = tpu.memref_squeeze %dma_start3A_171 : memref<1x1x32x1024xf32, #tpu.memory_space<vmem_shared>> -> memref<32x1024xf32, #tpu.memory_space<vmem_shared>>
    %dma_start3A_173 = arith.constant 0 : i32
    %dma_start3A_174 = tpu.memref_slice %arg2[%add3A_167, %dma_start3A_173] : memref<8192x1024xf32, #tpu.memory_space<hbm>> -> memref<32x1024xf32, #tpu.memory_space<hbm>>
    tpu.enqueue_dma source(%dma_start3A_174 : memref<32x1024xf32, #tpu.memory_space<hbm>>) target(%dma_start3A_172 : memref<32x1024xf32, #tpu.memory_space<vmem_shared>>) target_semaphore(%arg5 : memref<!tpu.dma_semaphore, #tpu.memory_space<semaphore_mem>>)
    %dma_wait3A_175 = arith.constant 2 : i32
    %dma_wait3A_176 = arith.constant 0 : i32
    %dma_wait3A_177 = arith.constant 0 : i32
    %dma_wait3A_178 = tpu.memref_slice %arg4[%arg1, %dma_wait3A_175, %dma_wait3A_176, %dma_wait3A_177] : memref<16x3x32x1024xf32, #tpu.memory_space<vmem_shared>> -> memref<1x1x32x1024xf32, #tpu.memory_space<vmem_shared>>
    %dma_wait3A_179 = tpu.memref_squeeze %dma_wait3A_178 : memref<1x1x32x1024xf32, #tpu.memory_space<vmem_shared>> -> memref<32x1024xf32, #tpu.memory_space<vmem_shared>>
    %dma_wait3A_180 = arith.constant 0 : i32
    %dma_wait3A_181 = tpu.memref_slice %arg2[%add3A_71, %dma_wait3A_180] : memref<8192x1024xf32, #tpu.memory_space<hbm>> -> memref<32x1024xf32, #tpu.memory_space<hbm>>
    tpu.wait_dma2 semaphore(%arg5 : memref<!tpu.dma_semaphore, #tpu.memory_space<semaphore_mem>>) src(%dma_wait3A_181 : memref<32x1024xf32, #tpu.memory_space<hbm>>) dst(%dma_wait3A_179 : memref<32x1024xf32, #tpu.memory_space<vmem_shared>>)
    %add3A_182 = arith.constant 64 : i32
    %add3A_183 = arith.addi %mul3A_2, %add3A_182 : i32
    %dma_start3A_184 = arith.constant 2 : i32
    %dma_start3A_185 = arith.constant 0 : i32
    %dma_start3A_186 = arith.constant 0 : i32
    %dma_start3A_187 = tpu.memref_slice %arg3[%dma_start3A_185, %add3A_183, %dma_start3A_186] : memref<4x8192x1024xf32, #tpu.memory_space<hbm>> -> memref<1x32x1024xf32, #tpu.memory_space<hbm>>
    %dma_start3A_188 = tpu.memref_squeeze %dma_start3A_187 : memref<1x32x1024xf32, #tpu.memory_space<hbm>> -> memref<32x1024xf32, #tpu.memory_space<hbm>>
    %dma_start3A_189 = arith.constant 0 : i32
    %dma_start3A_190 = arith.constant 0 : i32
    %dma_start3A_191 = tpu.memref_slice %arg4[%arg1, %dma_start3A_184, %dma_start3A_189, %dma_start3A_190] : memref<16x3x32x1024xf32, #tpu.memory_space<vmem_shared>> -> memref<1x1x32x1024xf32, #tpu.memory_space<vmem_shared>>
    %dma_start3A_192 = tpu.memref_squeeze %dma_start3A_191 : memref<1x1x32x1024xf32, #tpu.memory_space<vmem_shared>> -> memref<32x1024xf32, #tpu.memory_space<vmem_shared>>
    tpu.enqueue_dma source(%dma_start3A_192 : memref<32x1024xf32, #tpu.memory_space<vmem_shared>>) target(%dma_start3A_188 : memref<32x1024xf32, #tpu.memory_space<hbm>>) target_semaphore(%arg6 : memref<!tpu.dma_semaphore, #tpu.memory_space<semaphore_mem>>)
    %add3A_193 = arith.constant 64 : i32
    %add3A_194 = arith.addi %mul3A_2, %add3A_193 : i32
    %dma_start3A_195 = arith.constant 2 : i32
    %dma_start3A_196 = arith.constant 1 : i32
    %dma_start3A_197 = arith.constant 0 : i32
    %dma_start3A_198 = tpu.memref_slice %arg3[%dma_start3A_196, %add3A_194, %dma_start3A_197] : memref<4x8192x1024xf32, #tpu.memory_space<hbm>> -> memref<1x32x1024xf32, #tpu.memory_space<hbm>>
    %dma_start3A_199 = tpu.memref_squeeze %dma_start3A_198 : memref<1x32x1024xf32, #tpu.memory_space<hbm>> -> memref<32x1024xf32, #tpu.memory_space<hbm>>
    %dma_start3A_200 = arith.constant 0 : i32
    %dma_start3A_201 = arith.constant 0 : i32
    %dma_start3A_202 = tpu.memref_slice %arg4[%arg1, %dma_start3A_195, %dma_start3A_200, %dma_start3A_201] : memref<16x3x32x1024xf32, #tpu.memory_space<vmem_shared>> -> memref<1x1x32x1024xf32, #tpu.memory_space<vmem_shared>>
    %dma_start3A_203 = tpu.memref_squeeze %dma_start3A_202 : memref<1x1x32x1024xf32, #tpu.memory_space<vmem_shared>> -> memref<32x1024xf32, #tpu.memory_space<vmem_shared>>
    tpu.enqueue_dma source(%dma_start3A_203 : memref<32x1024xf32, #tpu.memory_space<vmem_shared>>) target(%dma_start3A_199 : memref<32x1024xf32, #tpu.memory_space<hbm>>) target_semaphore(%arg6 : memref<!tpu.dma_semaphore, #tpu.memory_space<semaphore_mem>>)
    %add3A_204 = arith.constant 64 : i32
    %add3A_205 = arith.addi %mul3A_2, %add3A_204 : i32
    %dma_start3A_206 = arith.constant 2 : i32
    %dma_start3A_207 = arith.constant 2 : i32
    %dma_start3A_208 = arith.constant 0 : i32
    %dma_start3A_209 = tpu.memref_slice %arg3[%dma_start3A_207, %add3A_205, %dma_start3A_208] : memref<4x8192x1024xf32, #tpu.memory_space<hbm>> -> memref<1x32x1024xf32, #tpu.memory_space<hbm>>
    %dma_start3A_210 = tpu.memref_squeeze %dma_start3A_209 : memref<1x32x1024xf32, #tpu.memory_space<hbm>> -> memref<32x1024xf32, #tpu.memory_space<hbm>>
    %dma_start3A_211 = arith.constant 0 : i32
    %dma_start3A_212 = arith.constant 0 : i32
    %dma_start3A_213 = tpu.memref_slice %arg4[%arg1, %dma_start3A_206, %dma_start3A_211, %dma_start3A_212] : memref<16x3x32x1024xf32, #tpu.memory_space<vmem_shared>> -> memref<1x1x32x1024xf32, #tpu.memory_space<vmem_shared>>
    %dma_start3A_214 = tpu.memref_squeeze %dma_start3A_213 : memref<1x1x32x1024xf32, #tpu.memory_space<vmem_shared>> -> memref<32x1024xf32, #tpu.memory_space<vmem_shared>>
    tpu.enqueue_dma source(%dma_start3A_214 : memref<32x1024xf32, #tpu.memory_space<vmem_shared>>) target(%dma_start3A_210 : memref<32x1024xf32, #tpu.memory_space<hbm>>) target_semaphore(%arg6 : memref<!tpu.dma_semaphore, #tpu.memory_space<semaphore_mem>>)
    %add3A_215 = arith.constant 64 : i32
    %add3A_216 = arith.addi %mul3A_2, %add3A_215 : i32
    %dma_start3A_217 = arith.constant 2 : i32
    %dma_start3A_218 = arith.constant 3 : i32
    %dma_start3A_219 = arith.constant 0 : i32
    %dma_start3A_220 = tpu.memref_slice %arg3[%dma_start3A_218, %add3A_216, %dma_start3A_219] : memref<4x8192x1024xf32, #tpu.memory_space<hbm>> -> memref<1x32x1024xf32, #tpu.memory_space<hbm>>
    %dma_start3A_221 = tpu.memref_squeeze %dma_start3A_220 : memref<1x32x1024xf32, #tpu.memory_space<hbm>> -> memref<32x1024xf32, #tpu.memory_space<hbm>>
    %dma_start3A_222 = arith.constant 0 : i32
    %dma_start3A_223 = arith.constant 0 : i32
    %dma_start3A_224 = tpu.memref_slice %arg4[%arg1, %dma_start3A_217, %dma_start3A_222, %dma_start3A_223] : memref<16x3x32x1024xf32, #tpu.memory_space<vmem_shared>> -> memref<1x1x32x1024xf32, #tpu.memory_space<vmem_shared>>
    %dma_start3A_225 = tpu.memref_squeeze %dma_start3A_224 : memref<1x1x32x1024xf32, #tpu.memory_space<vmem_shared>> -> memref<32x1024xf32, #tpu.memory_space<vmem_shared>>
    tpu.enqueue_dma source(%dma_start3A_225 : memref<32x1024xf32, #tpu.memory_space<vmem_shared>>) target(%dma_start3A_221 : memref<32x1024xf32, #tpu.memory_space<hbm>>) target_semaphore(%arg6 : memref<!tpu.dma_semaphore, #tpu.memory_space<semaphore_mem>>)
    %dma_wait3A_226 = arith.constant 1 : i32
    %dma_wait3A_227 = arith.constant 0 : i32
    %dma_wait3A_228 = arith.constant 0 : i32
    %dma_wait3A_229 = tpu.memref_slice %arg3[%dma_wait3A_227, %add3A_87, %dma_wait3A_228] : memref<4x8192x1024xf32, #tpu.memory_space<hbm>> -> memref<1x32x1024xf32, #tpu.memory_space<hbm>>
    %dma_wait3A_230 = tpu.memref_squeeze %dma_wait3A_229 : memref<1x32x1024xf32, #tpu.memory_space<hbm>> -> memref<32x1024xf32, #tpu.memory_space<hbm>>
    %dma_wait3A_231 = arith.constant 0 : i32
    %dma_wait3A_232 = arith.constant 0 : i32
    %dma_wait3A_233 = tpu.memref_slice %arg4[%arg1, %dma_wait3A_226, %dma_wait3A_231, %dma_wait3A_232] : memref<16x3x32x1024xf32, #tpu.memory_space<vmem_shared>> -> memref<1x1x32x1024xf32, #tpu.memory_space<vmem_shared>>
    %dma_wait3A_234 = tpu.memref_squeeze %dma_wait3A_233 : memref<1x1x32x1024xf32, #tpu.memory_space<vmem_shared>> -> memref<32x1024xf32, #tpu.memory_space<vmem_shared>>
    tpu.wait_dma2 semaphore(%arg6 : memref<!tpu.dma_semaphore, #tpu.memory_space<semaphore_mem>>) src(%dma_wait3A_234 : memref<32x1024xf32, #tpu.memory_space<vmem_shared>>) dst(%dma_wait3A_230 : memref<32x1024xf32, #tpu.memory_space<hbm>>)
    %dma_wait3A_235 = arith.constant 1 : i32
    %dma_wait3A_236 = arith.constant 1 : i32
    %dma_wait3A_237 = arith.constant 0 : i32
    %dma_wait3A_238 = tpu.memref_slice %arg3[%dma_wait3A_236, %add3A_98, %dma_wait3A_237] : memref<4x8192x1024xf32, #tpu.memory_space<hbm>> -> memref<1x32x1024xf32, #tpu.memory_space<hbm>>
    %dma_wait3A_239 = tpu.memref_squeeze %dma_wait3A_238 : memref<1x32x1024xf32, #tpu.memory_space<hbm>> -> memref<32x1024xf32, #tpu.memory_space<hbm>>
    %dma_wait3A_240 = arith.constant 0 : i32
    %dma_wait3A_241 = arith.constant 0 : i32
    %dma_wait3A_242 = tpu.memref_slice %arg4[%arg1, %dma_wait3A_235, %dma_wait3A_240, %dma_wait3A_241] : memref<16x3x32x1024xf32, #tpu.memory_space<vmem_shared>> -> memref<1x1x32x1024xf32, #tpu.memory_space<vmem_shared>>
    %dma_wait3A_243 = tpu.memref_squeeze %dma_wait3A_242 : memref<1x1x32x1024xf32, #tpu.memory_space<vmem_shared>> -> memref<32x1024xf32, #tpu.memory_space<vmem_shared>>
    tpu.wait_dma2 semaphore(%arg6 : memref<!tpu.dma_semaphore, #tpu.memory_space<semaphore_mem>>) src(%dma_wait3A_243 : memref<32x1024xf32, #tpu.memory_space<vmem_shared>>) dst(%dma_wait3A_239 : memref<32x1024xf32, #tpu.memory_space<hbm>>)
    %dma_wait3A_244 = arith.constant 1 : i32
    %dma_wait3A_245 = arith.constant 2 : i32
    %dma_wait3A_246 = arith.constant 0 : i32
    %dma_wait3A_247 = tpu.memref_slice %arg3[%dma_wait3A_245, %add3A_109, %dma_wait3A_246] : memref<4x8192x1024xf32, #tpu.memory_space<hbm>> -> memref<1x32x1024xf32, #tpu.memory_space<hbm>>
    %dma_wait3A_248 = tpu.memref_squeeze %dma_wait3A_247 : memref<1x32x1024xf32, #tpu.memory_space<hbm>> -> memref<32x1024xf32, #tpu.memory_space<hbm>>
    %dma_wait3A_249 = arith.constant 0 : i32
    %dma_wait3A_250 = arith.constant 0 : i32
    %dma_wait3A_251 = tpu.memref_slice %arg4[%arg1, %dma_wait3A_244, %dma_wait3A_249, %dma_wait3A_250] : memref<16x3x32x1024xf32, #tpu.memory_space<vmem_shared>> -> memref<1x1x32x1024xf32, #tpu.memory_space<vmem_shared>>
    %dma_wait3A_252 = tpu.memref_squeeze %dma_wait3A_251 : memref<1x1x32x1024xf32, #tpu.memory_space<vmem_shared>> -> memref<32x1024xf32, #tpu.memory_space<vmem_shared>>
    tpu.wait_dma2 semaphore(%arg6 : memref<!tpu.dma_semaphore, #tpu.memory_space<semaphore_mem>>) src(%dma_wait3A_252 : memref<32x1024xf32, #tpu.memory_space<vmem_shared>>) dst(%dma_wait3A_248 : memref<32x1024xf32, #tpu.memory_space<hbm>>)
    %dma_wait3A_253 = arith.constant 1 : i32
    %dma_wait3A_254 = arith.constant 3 : i32
    %dma_wait3A_255 = arith.constant 0 : i32
    %dma_wait3A_256 = tpu.memref_slice %arg3[%dma_wait3A_254, %add3A_120, %dma_wait3A_255] : memref<4x8192x1024xf32, #tpu.memory_space<hbm>> -> memref<1x32x1024xf32, #tpu.memory_space<hbm>>
    %dma_wait3A_257 = tpu.memref_squeeze %dma_wait3A_256 : memref<1x32x1024xf32, #tpu.memory_space<hbm>> -> memref<32x1024xf32, #tpu.memory_space<hbm>>
    %dma_wait3A_258 = arith.constant 0 : i32
    %dma_wait3A_259 = arith.constant 0 : i32
    %dma_wait3A_260 = tpu.memref_slice %arg4[%arg1, %dma_wait3A_253, %dma_wait3A_258, %dma_wait3A_259] : memref<16x3x32x1024xf32, #tpu.memory_space<vmem_shared>> -> memref<1x1x32x1024xf32, #tpu.memory_space<vmem_shared>>
    %dma_wait3A_261 = tpu.memref_squeeze %dma_wait3A_260 : memref<1x1x32x1024xf32, #tpu.memory_space<vmem_shared>> -> memref<32x1024xf32, #tpu.memory_space<vmem_shared>>
    tpu.wait_dma2 semaphore(%arg6 : memref<!tpu.dma_semaphore, #tpu.memory_space<semaphore_mem>>) src(%dma_wait3A_261 : memref<32x1024xf32, #tpu.memory_space<vmem_shared>>) dst(%dma_wait3A_257 : memref<32x1024xf32, #tpu.memory_space<hbm>>)
    %add3A_262 = arith.constant 128 : i32
    %add3A_263 = arith.addi %mul3A_2, %add3A_262 : i32
    %dma_start3A_264 = arith.constant 1 : i32
    %dma_start3A_265 = arith.constant 0 : i32
    %dma_start3A_266 = arith.constant 0 : i32
    %dma_start3A_267 = tpu.memref_slice %arg4[%arg1, %dma_start3A_264, %dma_start3A_265, %dma_start3A_266] : memref<16x3x32x1024xf32, #tpu.memory_space<vmem_shared>> -> memref<1x1x32x1024xf32, #tpu.memory_space<vmem_shared>>
    %dma_start3A_268 = tpu.memref_squeeze %dma_start3A_267 : memref<1x1x32x1024xf32, #tpu.memory_space<vmem_shared>> -> memref<32x1024xf32, #tpu.memory_space<vmem_shared>>
    %dma_start3A_269 = arith.constant 0 : i32
    %dma_start3A_270 = tpu.memref_slice %arg2[%add3A_263, %dma_start3A_269] : memref<8192x1024xf32, #tpu.memory_space<hbm>> -> memref<32x1024xf32, #tpu.memory_space<hbm>>
    tpu.enqueue_dma source(%dma_start3A_270 : memref<32x1024xf32, #tpu.memory_space<hbm>>) target(%dma_start3A_268 : memref<32x1024xf32, #tpu.memory_space<vmem_shared>>) target_semaphore(%arg5 : memref<!tpu.dma_semaphore, #tpu.memory_space<semaphore_mem>>)
    %dma_wait3A_271 = arith.constant 0 : i32
    %dma_wait3A_272 = arith.constant 0 : i32
    %dma_wait3A_273 = arith.constant 0 : i32
    %dma_wait3A_274 = tpu.memref_slice %arg4[%arg1, %dma_wait3A_271, %dma_wait3A_272, %dma_wait3A_273] : memref<16x3x32x1024xf32, #tpu.memory_space<vmem_shared>> -> memref<1x1x32x1024xf32, #tpu.memory_space<vmem_shared>>
    %dma_wait3A_275 = tpu.memref_squeeze %dma_wait3A_274 : memref<1x1x32x1024xf32, #tpu.memory_space<vmem_shared>> -> memref<32x1024xf32, #tpu.memory_space<vmem_shared>>
    %dma_wait3A_276 = arith.constant 0 : i32
    %dma_wait3A_277 = tpu.memref_slice %arg2[%add3A_167, %dma_wait3A_276] : memref<8192x1024xf32, #tpu.memory_space<hbm>> -> memref<32x1024xf32, #tpu.memory_space<hbm>>
    tpu.wait_dma2 semaphore(%arg5 : memref<!tpu.dma_semaphore, #tpu.memory_space<semaphore_mem>>) src(%dma_wait3A_277 : memref<32x1024xf32, #tpu.memory_space<hbm>>) dst(%dma_wait3A_275 : memref<32x1024xf32, #tpu.memory_space<vmem_shared>>)
    %add3A_278 = arith.constant 96 : i32
    %add3A_279 = arith.addi %mul3A_2, %add3A_278 : i32
    %dma_start3A_280 = arith.constant 0 : i32
    %dma_start3A_281 = arith.constant 0 : i32
    %dma_start3A_282 = arith.constant 0 : i32
    %dma_start3A_283 = tpu.memref_slice %arg3[%dma_start3A_281, %add3A_279, %dma_start3A_282] : memref<4x8192x1024xf32, #tpu.memory_space<hbm>> -> memref<1x32x1024xf32, #tpu.memory_space<hbm>>
    %dma_start3A_284 = tpu.memref_squeeze %dma_start3A_283 : memref<1x32x1024xf32, #tpu.memory_space<hbm>> -> memref<32x1024xf32, #tpu.memory_space<hbm>>
    %dma_start3A_285 = arith.constant 0 : i32
    %dma_start3A_286 = arith.constant 0 : i32
    %dma_start3A_287 = tpu.memref_slice %arg4[%arg1, %dma_start3A_280, %dma_start3A_285, %dma_start3A_286] : memref<16x3x32x1024xf32, #tpu.memory_space<vmem_shared>> -> memref<1x1x32x1024xf32, #tpu.memory_space<vmem_shared>>
    %dma_start3A_288 = tpu.memref_squeeze %dma_start3A_287 : memref<1x1x32x1024xf32, #tpu.memory_space<vmem_shared>> -> memref<32x1024xf32, #tpu.memory_space<vmem_shared>>
    tpu.enqueue_dma source(%dma_start3A_288 : memref<32x1024xf32, #tpu.memory_space<vmem_shared>>) target(%dma_start3A_284 : memref<32x1024xf32, #tpu.memory_space<hbm>>) target_semaphore(%arg6 : memref<!tpu.dma_semaphore, #tpu.memory_space<semaphore_mem>>)
    %add3A_289 = arith.constant 96 : i32
    %add3A_290 = arith.addi %mul3A_2, %add3A_289 : i32
    %dma_start3A_291 = arith.constant 0 : i32
    %dma_start3A_292 = arith.constant 1 : i32
    %dma_start3A_293 = arith.constant 0 : i32
    %dma_start3A_294 = tpu.memref_slice %arg3[%dma_start3A_292, %add3A_290, %dma_start3A_293] : memref<4x8192x1024xf32, #tpu.memory_space<hbm>> -> memref<1x32x1024xf32, #tpu.memory_space<hbm>>
    %dma_start3A_295 = tpu.memref_squeeze %dma_start3A_294 : memref<1x32x1024xf32, #tpu.memory_space<hbm>> -> memref<32x1024xf32, #tpu.memory_space<hbm>>
    %dma_start3A_296 = arith.constant 0 : i32
    %dma_start3A_297 = arith.constant 0 : i32
    %dma_start3A_298 = tpu.memref_slice %arg4[%arg1, %dma_start3A_291, %dma_start3A_296, %dma_start3A_297] : memref<16x3x32x1024xf32, #tpu.memory_space<vmem_shared>> -> memref<1x1x32x1024xf32, #tpu.memory_space<vmem_shared>>
    %dma_start3A_299 = tpu.memref_squeeze %dma_start3A_298 : memref<1x1x32x1024xf32, #tpu.memory_space<vmem_shared>> -> memref<32x1024xf32, #tpu.memory_space<vmem_shared>>
    tpu.enqueue_dma source(%dma_start3A_299 : memref<32x1024xf32, #tpu.memory_space<vmem_shared>>) target(%dma_start3A_295 : memref<32x1024xf32, #tpu.memory_space<hbm>>) target_semaphore(%arg6 : memref<!tpu.dma_semaphore, #tpu.memory_space<semaphore_mem>>)
    %add3A_300 = arith.constant 96 : i32
    %add3A_301 = arith.addi %mul3A_2, %add3A_300 : i32
    %dma_start3A_302 = arith.constant 0 : i32
    %dma_start3A_303 = arith.constant 2 : i32
    %dma_start3A_304 = arith.constant 0 : i32
    %dma_start3A_305 = tpu.memref_slice %arg3[%dma_start3A_303, %add3A_301, %dma_start3A_304] : memref<4x8192x1024xf32, #tpu.memory_space<hbm>> -> memref<1x32x1024xf32, #tpu.memory_space<hbm>>
    %dma_start3A_306 = tpu.memref_squeeze %dma_start3A_305 : memref<1x32x1024xf32, #tpu.memory_space<hbm>> -> memref<32x1024xf32, #tpu.memory_space<hbm>>
    %dma_start3A_307 = arith.constant 0 : i32
    %dma_start3A_308 = arith.constant 0 : i32
    %dma_start3A_309 = tpu.memref_slice %arg4[%arg1, %dma_start3A_302, %dma_start3A_307, %dma_start3A_308] : memref<16x3x32x1024xf32, #tpu.memory_space<vmem_shared>> -> memref<1x1x32x1024xf32, #tpu.memory_space<vmem_shared>>
    %dma_start3A_310 = tpu.memref_squeeze %dma_start3A_309 : memref<1x1x32x1024xf32, #tpu.memory_space<vmem_shared>> -> memref<32x1024xf32, #tpu.memory_space<vmem_shared>>
    tpu.enqueue_dma source(%dma_start3A_310 : memref<32x1024xf32, #tpu.memory_space<vmem_shared>>) target(%dma_start3A_306 : memref<32x1024xf32, #tpu.memory_space<hbm>>) target_semaphore(%arg6 : memref<!tpu.dma_semaphore, #tpu.memory_space<semaphore_mem>>)
    %add3A_311 = arith.constant 96 : i32
    %add3A_312 = arith.addi %mul3A_2, %add3A_311 : i32
    %dma_start3A_313 = arith.constant 0 : i32
    %dma_start3A_314 = arith.constant 3 : i32
    %dma_start3A_315 = arith.constant 0 : i32
    %dma_start3A_316 = tpu.memref_slice %arg3[%dma_start3A_314, %add3A_312, %dma_start3A_315] : memref<4x8192x1024xf32, #tpu.memory_space<hbm>> -> memref<1x32x1024xf32, #tpu.memory_space<hbm>>
    %dma_start3A_317 = tpu.memref_squeeze %dma_start3A_316 : memref<1x32x1024xf32, #tpu.memory_space<hbm>> -> memref<32x1024xf32, #tpu.memory_space<hbm>>
    %dma_start3A_318 = arith.constant 0 : i32
    %dma_start3A_319 = arith.constant 0 : i32
    %dma_start3A_320 = tpu.memref_slice %arg4[%arg1, %dma_start3A_313, %dma_start3A_318, %dma_start3A_319] : memref<16x3x32x1024xf32, #tpu.memory_space<vmem_shared>> -> memref<1x1x32x1024xf32, #tpu.memory_space<vmem_shared>>
    %dma_start3A_321 = tpu.memref_squeeze %dma_start3A_320 : memref<1x1x32x1024xf32, #tpu.memory_space<vmem_shared>> -> memref<32x1024xf32, #tpu.memory_space<vmem_shared>>
    tpu.enqueue_dma source(%dma_start3A_321 : memref<32x1024xf32, #tpu.memory_space<vmem_shared>>) target(%dma_start3A_317 : memref<32x1024xf32, #tpu.memory_space<hbm>>) target_semaphore(%arg6 : memref<!tpu.dma_semaphore, #tpu.memory_space<semaphore_mem>>)
    %dma_wait3A_322 = arith.constant 2 : i32
    %dma_wait3A_323 = arith.constant 0 : i32
    %dma_wait3A_324 = arith.constant 0 : i32
    %dma_wait3A_325 = tpu.memref_slice %arg3[%dma_wait3A_323, %add3A_183, %dma_wait3A_324] : memref<4x8192x1024xf32, #tpu.memory_space<hbm>> -> memref<1x32x1024xf32, #tpu.memory_space<hbm>>
    %dma_wait3A_326 = tpu.memref_squeeze %dma_wait3A_325 : memref<1x32x1024xf32, #tpu.memory_space<hbm>> -> memref<32x1024xf32, #tpu.memory_space<hbm>>
    %dma_wait3A_327 = arith.constant 0 : i32
    %dma_wait3A_328 = arith.constant 0 : i32
    %dma_wait3A_329 = tpu.memref_slice %arg4[%arg1, %dma_wait3A_322, %dma_wait3A_327, %dma_wait3A_328] : memref<16x3x32x1024xf32, #tpu.memory_space<vmem_shared>> -> memref<1x1x32x1024xf32, #tpu.memory_space<vmem_shared>>
    %dma_wait3A_330 = tpu.memref_squeeze %dma_wait3A_329 : memref<1x1x32x1024xf32, #tpu.memory_space<vmem_shared>> -> memref<32x1024xf32, #tpu.memory_space<vmem_shared>>
    tpu.wait_dma2 semaphore(%arg6 : memref<!tpu.dma_semaphore, #tpu.memory_space<semaphore_mem>>) src(%dma_wait3A_330 : memref<32x1024xf32, #tpu.memory_space<vmem_shared>>) dst(%dma_wait3A_326 : memref<32x1024xf32, #tpu.memory_space<hbm>>)
    %dma_wait3A_331 = arith.constant 2 : i32
    %dma_wait3A_332 = arith.constant 1 : i32
    %dma_wait3A_333 = arith.constant 0 : i32
    %dma_wait3A_334 = tpu.memref_slice %arg3[%dma_wait3A_332, %add3A_194, %dma_wait3A_333] : memref<4x8192x1024xf32, #tpu.memory_space<hbm>> -> memref<1x32x1024xf32, #tpu.memory_space<hbm>>
    %dma_wait3A_335 = tpu.memref_squeeze %dma_wait3A_334 : memref<1x32x1024xf32, #tpu.memory_space<hbm>> -> memref<32x1024xf32, #tpu.memory_space<hbm>>
    %dma_wait3A_336 = arith.constant 0 : i32
    %dma_wait3A_337 = arith.constant 0 : i32
    %dma_wait3A_338 = tpu.memref_slice %arg4[%arg1, %dma_wait3A_331, %dma_wait3A_336, %dma_wait3A_337] : memref<16x3x32x1024xf32, #tpu.memory_space<vmem_shared>> -> memref<1x1x32x1024xf32, #tpu.memory_space<vmem_shared>>
    %dma_wait3A_339 = tpu.memref_squeeze %dma_wait3A_338 : memref<1x1x32x1024xf32, #tpu.memory_space<vmem_shared>> -> memref<32x1024xf32, #tpu.memory_space<vmem_shared>>
    tpu.wait_dma2 semaphore(%arg6 : memref<!tpu.dma_semaphore, #tpu.memory_space<semaphore_mem>>) src(%dma_wait3A_339 : memref<32x1024xf32, #tpu.memory_space<vmem_shared>>) dst(%dma_wait3A_335 : memref<32x1024xf32, #tpu.memory_space<hbm>>)
    %dma_wait3A_340 = arith.constant 2 : i32
    %dma_wait3A_341 = arith.constant 2 : i32
    %dma_wait3A_342 = arith.constant 0 : i32
    %dma_wait3A_343 = tpu.memref_slice %arg3[%dma_wait3A_341, %add3A_205, %dma_wait3A_342] : memref<4x8192x1024xf32, #tpu.memory_space<hbm>> -> memref<1x32x1024xf32, #tpu.memory_space<hbm>>
    %dma_wait3A_344 = tpu.memref_squeeze %dma_wait3A_343 : memref<1x32x1024xf32, #tpu.memory_space<hbm>> -> memref<32x1024xf32, #tpu.memory_space<hbm>>
    %dma_wait3A_345 = arith.constant 0 : i32
    %dma_wait3A_346 = arith.constant 0 : i32
    %dma_wait3A_347 = tpu.memref_slice %arg4[%arg1, %dma_wait3A_340, %dma_wait3A_345, %dma_wait3A_346] : memref<16x3x32x1024xf32, #tpu.memory_space<vmem_shared>> -> memref<1x1x32x1024xf32, #tpu.memory_space<vmem_shared>>
    %dma_wait3A_348 = tpu.memref_squeeze %dma_wait3A_347 : memref<1x1x32x1024xf32, #tpu.memory_space<vmem_shared>> -> memref<32x1024xf32, #tpu.memory_space<vmem_shared>>
    tpu.wait_dma2 semaphore(%arg6 : memref<!tpu.dma_semaphore, #tpu.memory_space<semaphore_mem>>) src(%dma_wait3A_348 : memref<32x1024xf32, #tpu.memory_space<vmem_shared>>) dst(%dma_wait3A_344 : memref<32x1024xf32, #tpu.memory_space<hbm>>)
    %dma_wait3A_349 = arith.constant 2 : i32
    %dma_wait3A_350 = arith.constant 3 : i32
    %dma_wait3A_351 = arith.constant 0 : i32
    %dma_wait3A_352 = tpu.memref_slice %arg3[%dma_wait3A_350, %add3A_216, %dma_wait3A_351] : memref<4x8192x1024xf32, #tpu.memory_space<hbm>> -> memref<1x32x1024xf32, #tpu.memory_space<hbm>>
    %dma_wait3A_353 = tpu.memref_squeeze %dma_wait3A_352 : memref<1x32x1024xf32, #tpu.memory_space<hbm>> -> memref<32x1024xf32, #tpu.memory_space<hbm>>
    %dma_wait3A_354 = arith.constant 0 : i32
    %dma_wait3A_355 = arith.constant 0 : i32
    %dma_wait3A_356 = tpu.memref_slice %arg4[%arg1, %dma_wait3A_349, %dma_wait3A_354, %dma_wait3A_355] : memref<16x3x32x1024xf32, #tpu.memory_space<vmem_shared>> -> memref<1x1x32x1024xf32, #tpu.memory_space<vmem_shared>>
    %dma_wait3A_357 = tpu.memref_squeeze %dma_wait3A_356 : memref<1x1x32x1024xf32, #tpu.memory_space<vmem_shared>> -> memref<32x1024xf32, #tpu.memory_space<vmem_shared>>
    tpu.wait_dma2 semaphore(%arg6 : memref<!tpu.dma_semaphore, #tpu.memory_space<semaphore_mem>>) src(%dma_wait3A_357 : memref<32x1024xf32, #tpu.memory_space<vmem_shared>>) dst(%dma_wait3A_353 : memref<32x1024xf32, #tpu.memory_space<hbm>>)
    %add3A_358 = arith.constant 160 : i32
    %add3A_359 = arith.addi %mul3A_2, %add3A_358 : i32
    %dma_start3A_360 = arith.constant 2 : i32
    %dma_start3A_361 = arith.constant 0 : i32
    %dma_start3A_362 = arith.constant 0 : i32
    %dma_start3A_363 = tpu.memref_slice %arg4[%arg1, %dma_start3A_360, %dma_start3A_361, %dma_start3A_362] : memref<16x3x32x1024xf32, #tpu.memory_space<vmem_shared>> -> memref<1x1x32x1024xf32, #tpu.memory_space<vmem_shared>>
    %dma_start3A_364 = tpu.memref_squeeze %dma_start3A_363 : memref<1x1x32x1024xf32, #tpu.memory_space<vmem_shared>> -> memref<32x1024xf32, #tpu.memory_space<vmem_shared>>
    %dma_start3A_365 = arith.constant 0 : i32
    %dma_start3A_366 = tpu.memref_slice %arg2[%add3A_359, %dma_start3A_365] : memref<8192x1024xf32, #tpu.memory_space<hbm>> -> memref<32x1024xf32, #tpu.memory_space<hbm>>
    tpu.enqueue_dma source(%dma_start3A_366 : memref<32x1024xf32, #tpu.memory_space<hbm>>) target(%dma_start3A_364 : memref<32x1024xf32, #tpu.memory_space<vmem_shared>>) target_semaphore(%arg5 : memref<!tpu.dma_semaphore, #tpu.memory_space<semaphore_mem>>)
    %dma_wait3A_367 = arith.constant 1 : i32
    %dma_wait3A_368 = arith.constant 0 : i32
    %dma_wait3A_369 = arith.constant 0 : i32
    %dma_wait3A_370 = tpu.memref_slice %arg4[%arg1, %dma_wait3A_367, %dma_wait3A_368, %dma_wait3A_369] : memref<16x3x32x1024xf32, #tpu.memory_space<vmem_shared>> -> memref<1x1x32x1024xf32, #tpu.memory_space<vmem_shared>>
    %dma_wait3A_371 = tpu.memref_squeeze %dma_wait3A_370 : memref<1x1x32x1024xf32, #tpu.memory_space<vmem_shared>> -> memref<32x1024xf32, #tpu.memory_space<vmem_shared>>
    %dma_wait3A_372 = arith.constant 0 : i32
    %dma_wait3A_373 = tpu.memref_slice %arg2[%add3A_263, %dma_wait3A_372] : memref<8192x1024xf32, #tpu.memory_space<hbm>> -> memref<32x1024xf32, #tpu.memory_space<hbm>>
    tpu.wait_dma2 semaphore(%arg5 : memref<!tpu.dma_semaphore, #tpu.memory_space<semaphore_mem>>) src(%dma_wait3A_373 : memref<32x1024xf32, #tpu.memory_space<hbm>>) dst(%dma_wait3A_371 : memref<32x1024xf32, #tpu.memory_space<vmem_shared>>)
    %add3A_374 = arith.constant 128 : i32
    %add3A_375 = arith.addi %mul3A_2, %add3A_374 : i32
    %dma_start3A_376 = arith.constant 1 : i32
    %dma_start3A_377 = arith.constant 0 : i32
    %dma_start3A_378 = arith.constant 0 : i32
    %dma_start3A_379 = tpu.memref_slice %arg3[%dma_start3A_377, %add3A_375, %dma_start3A_378] : memref<4x8192x1024xf32, #tpu.memory_space<hbm>> -> memref<1x32x1024xf32, #tpu.memory_space<hbm>>
    %dma_start3A_380 = tpu.memref_squeeze %dma_start3A_379 : memref<1x32x1024xf32, #tpu.memory_space<hbm>> -> memref<32x1024xf32, #tpu.memory_space<hbm>>
    %dma_start3A_381 = arith.constant 0 : i32
    %dma_start3A_382 = arith.constant 0 : i32
    %dma_start3A_383 = tpu.memref_slice %arg4[%arg1, %dma_start3A_376, %dma_start3A_381, %dma_start3A_382] : memref<16x3x32x1024xf32, #tpu.memory_space<vmem_shared>> -> memref<1x1x32x1024xf32, #tpu.memory_space<vmem_shared>>
    %dma_start3A_384 = tpu.memref_squeeze %dma_start3A_383 : memref<1x1x32x1024xf32, #tpu.memory_space<vmem_shared>> -> memref<32x1024xf32, #tpu.memory_space<vmem_shared>>
    tpu.enqueue_dma source(%dma_start3A_384 : memref<32x1024xf32, #tpu.memory_space<vmem_shared>>) target(%dma_start3A_380 : memref<32x1024xf32, #tpu.memory_space<hbm>>) target_semaphore(%arg6 : memref<!tpu.dma_semaphore, #tpu.memory_space<semaphore_mem>>)
    %add3A_385 = arith.constant 128 : i32
    %add3A_386 = arith.addi %mul3A_2, %add3A_385 : i32
    %dma_start3A_387 = arith.constant 1 : i32
    %dma_start3A_388 = arith.constant 1 : i32
    %dma_start3A_389 = arith.constant 0 : i32
    %dma_start3A_390 = tpu.memref_slice %arg3[%dma_start3A_388, %add3A_386, %dma_start3A_389] : memref<4x8192x1024xf32, #tpu.memory_space<hbm>> -> memref<1x32x1024xf32, #tpu.memory_space<hbm>>
    %dma_start3A_391 = tpu.memref_squeeze %dma_start3A_390 : memref<1x32x1024xf32, #tpu.memory_space<hbm>> -> memref<32x1024xf32, #tpu.memory_space<hbm>>
    %dma_start3A_392 = arith.constant 0 : i32
    %dma_start3A_393 = arith.constant 0 : i32
    %dma_start3A_394 = tpu.memref_slice %arg4[%arg1, %dma_start3A_387, %dma_start3A_392, %dma_start3A_393] : memref<16x3x32x1024xf32, #tpu.memory_space<vmem_shared>> -> memref<1x1x32x1024xf32, #tpu.memory_space<vmem_shared>>
    %dma_start3A_395 = tpu.memref_squeeze %dma_start3A_394 : memref<1x1x32x1024xf32, #tpu.memory_space<vmem_shared>> -> memref<32x1024xf32, #tpu.memory_space<vmem_shared>>
    tpu.enqueue_dma source(%dma_start3A_395 : memref<32x1024xf32, #tpu.memory_space<vmem_shared>>) target(%dma_start3A_391 : memref<32x1024xf32, #tpu.memory_space<hbm>>) target_semaphore(%arg6 : memref<!tpu.dma_semaphore, #tpu.memory_space<semaphore_mem>>)
    %add3A_396 = arith.constant 128 : i32
    %add3A_397 = arith.addi %mul3A_2, %add3A_396 : i32
    %dma_start3A_398 = arith.constant 1 : i32
    %dma_start3A_399 = arith.constant 2 : i32
    %dma_start3A_400 = arith.constant 0 : i32
    %dma_start3A_401 = tpu.memref_slice %arg3[%dma_start3A_399, %add3A_397, %dma_start3A_400] : memref<4x8192x1024xf32, #tpu.memory_space<hbm>> -> memref<1x32x1024xf32, #tpu.memory_space<hbm>>
    %dma_start3A_402 = tpu.memref_squeeze %dma_start3A_401 : memref<1x32x1024xf32, #tpu.memory_space<hbm>> -> memref<32x1024xf32, #tpu.memory_space<hbm>>
    %dma_start3A_403 = arith.constant 0 : i32
    %dma_start3A_404 = arith.constant 0 : i32
    %dma_start3A_405 = tpu.memref_slice %arg4[%arg1, %dma_start3A_398, %dma_start3A_403, %dma_start3A_404] : memref<16x3x32x1024xf32, #tpu.memory_space<vmem_shared>> -> memref<1x1x32x1024xf32, #tpu.memory_space<vmem_shared>>
    %dma_start3A_406 = tpu.memref_squeeze %dma_start3A_405 : memref<1x1x32x1024xf32, #tpu.memory_space<vmem_shared>> -> memref<32x1024xf32, #tpu.memory_space<vmem_shared>>
    tpu.enqueue_dma source(%dma_start3A_406 : memref<32x1024xf32, #tpu.memory_space<vmem_shared>>) target(%dma_start3A_402 : memref<32x1024xf32, #tpu.memory_space<hbm>>) target_semaphore(%arg6 : memref<!tpu.dma_semaphore, #tpu.memory_space<semaphore_mem>>)
    %add3A_407 = arith.constant 128 : i32
    %add3A_408 = arith.addi %mul3A_2, %add3A_407 : i32
    %dma_start3A_409 = arith.constant 1 : i32
    %dma_start3A_410 = arith.constant 3 : i32
    %dma_start3A_411 = arith.constant 0 : i32
    %dma_start3A_412 = tpu.memref_slice %arg3[%dma_start3A_410, %add3A_408, %dma_start3A_411] : memref<4x8192x1024xf32, #tpu.memory_space<hbm>> -> memref<1x32x1024xf32, #tpu.memory_space<hbm>>
    %dma_start3A_413 = tpu.memref_squeeze %dma_start3A_412 : memref<1x32x1024xf32, #tpu.memory_space<hbm>> -> memref<32x1024xf32, #tpu.memory_space<hbm>>
    %dma_start3A_414 = arith.constant 0 : i32
    %dma_start3A_415 = arith.constant 0 : i32
    %dma_start3A_416 = tpu.memref_slice %arg4[%arg1, %dma_start3A_409, %dma_start3A_414, %dma_start3A_415] : memref<16x3x32x1024xf32, #tpu.memory_space<vmem_shared>> -> memref<1x1x32x1024xf32, #tpu.memory_space<vmem_shared>>
    %dma_start3A_417 = tpu.memref_squeeze %dma_start3A_416 : memref<1x1x32x1024xf32, #tpu.memory_space<vmem_shared>> -> memref<32x1024xf32, #tpu.memory_space<vmem_shared>>
    tpu.enqueue_dma source(%dma_start3A_417 : memref<32x1024xf32, #tpu.memory_space<vmem_shared>>) target(%dma_start3A_413 : memref<32x1024xf32, #tpu.memory_space<hbm>>) target_semaphore(%arg6 : memref<!tpu.dma_semaphore, #tpu.memory_space<semaphore_mem>>)
    %dma_wait3A_418 = arith.constant 0 : i32
    %dma_wait3A_419 = arith.constant 0 : i32
    %dma_wait3A_420 = arith.constant 0 : i32
    %dma_wait3A_421 = tpu.memref_slice %arg3[%dma_wait3A_419, %add3A_279, %dma_wait3A_420] : memref<4x8192x1024xf32, #tpu.memory_space<hbm>> -> memref<1x32x1024xf32, #tpu.memory_space<hbm>>
    %dma_wait3A_422 = tpu.memref_squeeze %dma_wait3A_421 : memref<1x32x1024xf32, #tpu.memory_space<hbm>> -> memref<32x1024xf32, #tpu.memory_space<hbm>>
    %dma_wait3A_423 = arith.constant 0 : i32
    %dma_wait3A_424 = arith.constant 0 : i32
    %dma_wait3A_425 = tpu.memref_slice %arg4[%arg1, %dma_wait3A_418, %dma_wait3A_423, %dma_wait3A_424] : memref<16x3x32x1024xf32, #tpu.memory_space<vmem_shared>> -> memref<1x1x32x1024xf32, #tpu.memory_space<vmem_shared>>
    %dma_wait3A_426 = tpu.memref_squeeze %dma_wait3A_425 : memref<1x1x32x1024xf32, #tpu.memory_space<vmem_shared>> -> memref<32x1024xf32, #tpu.memory_space<vmem_shared>>
    tpu.wait_dma2 semaphore(%arg6 : memref<!tpu.dma_semaphore, #tpu.memory_space<semaphore_mem>>) src(%dma_wait3A_426 : memref<32x1024xf32, #tpu.memory_space<vmem_shared>>) dst(%dma_wait3A_422 : memref<32x1024xf32, #tpu.memory_space<hbm>>)
    %dma_wait3A_427 = arith.constant 0 : i32
    %dma_wait3A_428 = arith.constant 1 : i32
    %dma_wait3A_429 = arith.constant 0 : i32
    %dma_wait3A_430 = tpu.memref_slice %arg3[%dma_wait3A_428, %add3A_290, %dma_wait3A_429] : memref<4x8192x1024xf32, #tpu.memory_space<hbm>> -> memref<1x32x1024xf32, #tpu.memory_space<hbm>>
    %dma_wait3A_431 = tpu.memref_squeeze %dma_wait3A_430 : memref<1x32x1024xf32, #tpu.memory_space<hbm>> -> memref<32x1024xf32, #tpu.memory_space<hbm>>
    %dma_wait3A_432 = arith.constant 0 : i32
    %dma_wait3A_433 = arith.constant 0 : i32
    %dma_wait3A_434 = tpu.memref_slice %arg4[%arg1, %dma_wait3A_427, %dma_wait3A_432, %dma_wait3A_433] : memref<16x3x32x1024xf32, #tpu.memory_space<vmem_shared>> -> memref<1x1x32x1024xf32, #tpu.memory_space<vmem_shared>>
    %dma_wait3A_435 = tpu.memref_squeeze %dma_wait3A_434 : memref<1x1x32x1024xf32, #tpu.memory_space<vmem_shared>> -> memref<32x1024xf32, #tpu.memory_space<vmem_shared>>
    tpu.wait_dma2 semaphore(%arg6 : memref<!tpu.dma_semaphore, #tpu.memory_space<semaphore_mem>>) src(%dma_wait3A_435 : memref<32x1024xf32, #tpu.memory_space<vmem_shared>>) dst(%dma_wait3A_431 : memref<32x1024xf32, #tpu.memory_space<hbm>>)
    %dma_wait3A_436 = arith.constant 0 : i32
    %dma_wait3A_437 = arith.constant 2 : i32
    %dma_wait3A_438 = arith.constant 0 : i32
    %dma_wait3A_439 = tpu.memref_slice %arg3[%dma_wait3A_437, %add3A_301, %dma_wait3A_438] : memref<4x8192x1024xf32, #tpu.memory_space<hbm>> -> memref<1x32x1024xf32, #tpu.memory_space<hbm>>
    %dma_wait3A_440 = tpu.memref_squeeze %dma_wait3A_439 : memref<1x32x1024xf32, #tpu.memory_space<hbm>> -> memref<32x1024xf32, #tpu.memory_space<hbm>>
    %dma_wait3A_441 = arith.constant 0 : i32
    %dma_wait3A_442 = arith.constant 0 : i32
    %dma_wait3A_443 = tpu.memref_slice %arg4[%arg1, %dma_wait3A_436, %dma_wait3A_441, %dma_wait3A_442] : memref<16x3x32x1024xf32, #tpu.memory_space<vmem_shared>> -> memref<1x1x32x1024xf32, #tpu.memory_space<vmem_shared>>
    %dma_wait3A_444 = tpu.memref_squeeze %dma_wait3A_443 : memref<1x1x32x1024xf32, #tpu.memory_space<vmem_shared>> -> memref<32x1024xf32, #tpu.memory_space<vmem_shared>>
    tpu.wait_dma2 semaphore(%arg6 : memref<!tpu.dma_semaphore, #tpu.memory_space<semaphore_mem>>) src(%dma_wait3A_444 : memref<32x1024xf32, #tpu.memory_space<vmem_shared>>) dst(%dma_wait3A_440 : memref<32x1024xf32, #tpu.memory_space<hbm>>)
    %dma_wait3A_445 = arith.constant 0 : i32
    %dma_wait3A_446 = arith.constant 3 : i32
    %dma_wait3A_447 = arith.constant 0 : i32
    %dma_wait3A_448 = tpu.memref_slice %arg3[%dma_wait3A_446, %add3A_312, %dma_wait3A_447] : memref<4x8192x1024xf32, #tpu.memory_space<hbm>> -> memref<1x32x1024xf32, #tpu.memory_space<hbm>>
    %dma_wait3A_449 = tpu.memref_squeeze %dma_wait3A_448 : memref<1x32x1024xf32, #tpu.memory_space<hbm>> -> memref<32x1024xf32, #tpu.memory_space<hbm>>
    %dma_wait3A_450 = arith.constant 0 : i32
    %dma_wait3A_451 = arith.constant 0 : i32
    %dma_wait3A_452 = tpu.memref_slice %arg4[%arg1, %dma_wait3A_445, %dma_wait3A_450, %dma_wait3A_451] : memref<16x3x32x1024xf32, #tpu.memory_space<vmem_shared>> -> memref<1x1x32x1024xf32, #tpu.memory_space<vmem_shared>>
    %dma_wait3A_453 = tpu.memref_squeeze %dma_wait3A_452 : memref<1x1x32x1024xf32, #tpu.memory_space<vmem_shared>> -> memref<32x1024xf32, #tpu.memory_space<vmem_shared>>
    tpu.wait_dma2 semaphore(%arg6 : memref<!tpu.dma_semaphore, #tpu.memory_space<semaphore_mem>>) src(%dma_wait3A_453 : memref<32x1024xf32, #tpu.memory_space<vmem_shared>>) dst(%dma_wait3A_449 : memref<32x1024xf32, #tpu.memory_space<hbm>>)
    %add3A_454 = arith.constant 192 : i32
    %add3A_455 = arith.addi %mul3A_2, %add3A_454 : i32
    %dma_start3A_456 = arith.constant 0 : i32
    %dma_start3A_457 = arith.constant 0 : i32
    %dma_start3A_458 = arith.constant 0 : i32
    %dma_start3A_459 = tpu.memref_slice %arg4[%arg1, %dma_start3A_456, %dma_start3A_457, %dma_start3A_458] : memref<16x3x32x1024xf32, #tpu.memory_space<vmem_shared>> -> memref<1x1x32x1024xf32, #tpu.memory_space<vmem_shared>>
    %dma_start3A_460 = tpu.memref_squeeze %dma_start3A_459 : memref<1x1x32x1024xf32, #tpu.memory_space<vmem_shared>> -> memref<32x1024xf32, #tpu.memory_space<vmem_shared>>
    %dma_start3A_461 = arith.constant 0 : i32
    %dma_start3A_462 = tpu.memref_slice %arg2[%add3A_455, %dma_start3A_461] : memref<8192x1024xf32, #tpu.memory_space<hbm>> -> memref<32x1024xf32, #tpu.memory_space<hbm>>
    tpu.enqueue_dma source(%dma_start3A_462 : memref<32x1024xf32, #tpu.memory_space<hbm>>) target(%dma_start3A_460 : memref<32x1024xf32, #tpu.memory_space<vmem_shared>>) target_semaphore(%arg5 : memref<!tpu.dma_semaphore, #tpu.memory_space<semaphore_mem>>)
    %dma_wait3A_463 = arith.constant 2 : i32
    %dma_wait3A_464 = arith.constant 0 : i32
    %dma_wait3A_465 = arith.constant 0 : i32
    %dma_wait3A_466 = tpu.memref_slice %arg4[%arg1, %dma_wait3A_463, %dma_wait3A_464, %dma_wait3A_465] : memref<16x3x32x1024xf32, #tpu.memory_space<vmem_shared>> -> memref<1x1x32x1024xf32, #tpu.memory_space<vmem_shared>>
    %dma_wait3A_467 = tpu.memref_squeeze %dma_wait3A_466 : memref<1x1x32x1024xf32, #tpu.memory_space<vmem_shared>> -> memref<32x1024xf32, #tpu.memory_space<vmem_shared>>
    %dma_wait3A_468 = arith.constant 0 : i32
    %dma_wait3A_469 = tpu.memref_slice %arg2[%add3A_359, %dma_wait3A_468] : memref<8192x1024xf32, #tpu.memory_space<hbm>> -> memref<32x1024xf32, #tpu.memory_space<hbm>>
    tpu.wait_dma2 semaphore(%arg5 : memref<!tpu.dma_semaphore, #tpu.memory_space<semaphore_mem>>) src(%dma_wait3A_469 : memref<32x1024xf32, #tpu.memory_space<hbm>>) dst(%dma_wait3A_467 : memref<32x1024xf32, #tpu.memory_space<vmem_shared>>)
    %add3A_470 = arith.constant 160 : i32
    %add3A_471 = arith.addi %mul3A_2, %add3A_470 : i32
    %dma_start3A_472 = arith.constant 2 : i32
    %dma_start3A_473 = arith.constant 0 : i32
    %dma_start3A_474 = arith.constant 0 : i32
    %dma_start3A_475 = tpu.memref_slice %arg3[%dma_start3A_473, %add3A_471, %dma_start3A_474] : memref<4x8192x1024xf32, #tpu.memory_space<hbm>> -> memref<1x32x1024xf32, #tpu.memory_space<hbm>>
    %dma_start3A_476 = tpu.memref_squeeze %dma_start3A_475 : memref<1x32x1024xf32, #tpu.memory_space<hbm>> -> memref<32x1024xf32, #tpu.memory_space<hbm>>
    %dma_start3A_477 = arith.constant 0 : i32
    %dma_start3A_478 = arith.constant 0 : i32
    %dma_start3A_479 = tpu.memref_slice %arg4[%arg1, %dma_start3A_472, %dma_start3A_477, %dma_start3A_478] : memref<16x3x32x1024xf32, #tpu.memory_space<vmem_shared>> -> memref<1x1x32x1024xf32, #tpu.memory_space<vmem_shared>>
    %dma_start3A_480 = tpu.memref_squeeze %dma_start3A_479 : memref<1x1x32x1024xf32, #tpu.memory_space<vmem_shared>> -> memref<32x1024xf32, #tpu.memory_space<vmem_shared>>
    tpu.enqueue_dma source(%dma_start3A_480 : memref<32x1024xf32, #tpu.memory_space<vmem_shared>>) target(%dma_start3A_476 : memref<32x1024xf32, #tpu.memory_space<hbm>>) target_semaphore(%arg6 : memref<!tpu.dma_semaphore, #tpu.memory_space<semaphore_mem>>)
    %add3A_481 = arith.constant 160 : i32
    %add3A_482 = arith.addi %mul3A_2, %add3A_481 : i32
    %dma_start3A_483 = arith.constant 2 : i32
    %dma_start3A_484 = arith.constant 1 : i32
    %dma_start3A_485 = arith.constant 0 : i32
    %dma_start3A_486 = tpu.memref_slice %arg3[%dma_start3A_484, %add3A_482, %dma_start3A_485] : memref<4x8192x1024xf32, #tpu.memory_space<hbm>> -> memref<1x32x1024xf32, #tpu.memory_space<hbm>>
    %dma_start3A_487 = tpu.memref_squeeze %dma_start3A_486 : memref<1x32x1024xf32, #tpu.memory_space<hbm>> -> memref<32x1024xf32, #tpu.memory_space<hbm>>
    %dma_start3A_488 = arith.constant 0 : i32
    %dma_start3A_489 = arith.constant 0 : i32
    %dma_start3A_490 = tpu.memref_slice %arg4[%arg1, %dma_start3A_483, %dma_start3A_488, %dma_start3A_489] : memref<16x3x32x1024xf32, #tpu.memory_space<vmem_shared>> -> memref<1x1x32x1024xf32, #tpu.memory_space<vmem_shared>>
    %dma_start3A_491 = tpu.memref_squeeze %dma_start3A_490 : memref<1x1x32x1024xf32, #tpu.memory_space<vmem_shared>> -> memref<32x1024xf32, #tpu.memory_space<vmem_shared>>
    tpu.enqueue_dma source(%dma_start3A_491 : memref<32x1024xf32, #tpu.memory_space<vmem_shared>>) target(%dma_start3A_487 : memref<32x1024xf32, #tpu.memory_space<hbm>>) target_semaphore(%arg6 : memref<!tpu.dma_semaphore, #tpu.memory_space<semaphore_mem>>)
    %add3A_492 = arith.constant 160 : i32
    %add3A_493 = arith.addi %mul3A_2, %add3A_492 : i32
    %dma_start3A_494 = arith.constant 2 : i32
    %dma_start3A_495 = arith.constant 2 : i32
    %dma_start3A_496 = arith.constant 0 : i32
    %dma_start3A_497 = tpu.memref_slice %arg3[%dma_start3A_495, %add3A_493, %dma_start3A_496] : memref<4x8192x1024xf32, #tpu.memory_space<hbm>> -> memref<1x32x1024xf32, #tpu.memory_space<hbm>>
    %dma_start3A_498 = tpu.memref_squeeze %dma_start3A_497 : memref<1x32x1024xf32, #tpu.memory_space<hbm>> -> memref<32x1024xf32, #tpu.memory_space<hbm>>
    %dma_start3A_499 = arith.constant 0 : i32
    %dma_start3A_500 = arith.constant 0 : i32
    %dma_start3A_501 = tpu.memref_slice %arg4[%arg1, %dma_start3A_494, %dma_start3A_499, %dma_start3A_500] : memref<16x3x32x1024xf32, #tpu.memory_space<vmem_shared>> -> memref<1x1x32x1024xf32, #tpu.memory_space<vmem_shared>>
    %dma_start3A_502 = tpu.memref_squeeze %dma_start3A_501 : memref<1x1x32x1024xf32, #tpu.memory_space<vmem_shared>> -> memref<32x1024xf32, #tpu.memory_space<vmem_shared>>
    tpu.enqueue_dma source(%dma_start3A_502 : memref<32x1024xf32, #tpu.memory_space<vmem_shared>>) target(%dma_start3A_498 : memref<32x1024xf32, #tpu.memory_space<hbm>>) target_semaphore(%arg6 : memref<!tpu.dma_semaphore, #tpu.memory_space<semaphore_mem>>)
    %add3A_503 = arith.constant 160 : i32
    %add3A_504 = arith.addi %mul3A_2, %add3A_503 : i32
    %dma_start3A_505 = arith.constant 2 : i32
    %dma_start3A_506 = arith.constant 3 : i32
    %dma_start3A_507 = arith.constant 0 : i32
    %dma_start3A_508 = tpu.memref_slice %arg3[%dma_start3A_506, %add3A_504, %dma_start3A_507] : memref<4x8192x1024xf32, #tpu.memory_space<hbm>> -> memref<1x32x1024xf32, #tpu.memory_space<hbm>>
    %dma_start3A_509 = tpu.memref_squeeze %dma_start3A_508 : memref<1x32x1024xf32, #tpu.memory_space<hbm>> -> memref<32x1024xf32, #tpu.memory_space<hbm>>
    %dma_start3A_510 = arith.constant 0 : i32
    %dma_start3A_511 = arith.constant 0 : i32
    %dma_start3A_512 = tpu.memref_slice %arg4[%arg1, %dma_start3A_505, %dma_start3A_510, %dma_start3A_511] : memref<16x3x32x1024xf32, #tpu.memory_space<vmem_shared>> -> memref<1x1x32x1024xf32, #tpu.memory_space<vmem_shared>>
    %dma_start3A_513 = tpu.memref_squeeze %dma_start3A_512 : memref<1x1x32x1024xf32, #tpu.memory_space<vmem_shared>> -> memref<32x1024xf32, #tpu.memory_space<vmem_shared>>
    tpu.enqueue_dma source(%dma_start3A_513 : memref<32x1024xf32, #tpu.memory_space<vmem_shared>>) target(%dma_start3A_509 : memref<32x1024xf32, #tpu.memory_space<hbm>>) target_semaphore(%arg6 : memref<!tpu.dma_semaphore, #tpu.memory_space<semaphore_mem>>)
    %dma_wait3A_514 = arith.constant 1 : i32
    %dma_wait3A_515 = arith.constant 0 : i32
    %dma_wait3A_516 = arith.constant 0 : i32
    %dma_wait3A_517 = tpu.memref_slice %arg3[%dma_wait3A_515, %add3A_375, %dma_wait3A_516] : memref<4x8192x1024xf32, #tpu.memory_space<hbm>> -> memref<1x32x1024xf32, #tpu.memory_space<hbm>>
    %dma_wait3A_518 = tpu.memref_squeeze %dma_wait3A_517 : memref<1x32x1024xf32, #tpu.memory_space<hbm>> -> memref<32x1024xf32, #tpu.memory_space<hbm>>
    %dma_wait3A_519 = arith.constant 0 : i32
    %dma_wait3A_520 = arith.constant 0 : i32
    %dma_wait3A_521 = tpu.memref_slice %arg4[%arg1, %dma_wait3A_514, %dma_wait3A_519, %dma_wait3A_520] : memref<16x3x32x1024xf32, #tpu.memory_space<vmem_shared>> -> memref<1x1x32x1024xf32, #tpu.memory_space<vmem_shared>>
    %dma_wait3A_522 = tpu.memref_squeeze %dma_wait3A_521 : memref<1x1x32x1024xf32, #tpu.memory_space<vmem_shared>> -> memref<32x1024xf32, #tpu.memory_space<vmem_shared>>
    tpu.wait_dma2 semaphore(%arg6 : memref<!tpu.dma_semaphore, #tpu.memory_space<semaphore_mem>>) src(%dma_wait3A_522 : memref<32x1024xf32, #tpu.memory_space<vmem_shared>>) dst(%dma_wait3A_518 : memref<32x1024xf32, #tpu.memory_space<hbm>>)
    %dma_wait3A_523 = arith.constant 1 : i32
    %dma_wait3A_524 = arith.constant 1 : i32
    %dma_wait3A_525 = arith.constant 0 : i32
    %dma_wait3A_526 = tpu.memref_slice %arg3[%dma_wait3A_524, %add3A_386, %dma_wait3A_525] : memref<4x8192x1024xf32, #tpu.memory_space<hbm>> -> memref<1x32x1024xf32, #tpu.memory_space<hbm>>
    %dma_wait3A_527 = tpu.memref_squeeze %dma_wait3A_526 : memref<1x32x1024xf32, #tpu.memory_space<hbm>> -> memref<32x1024xf32, #tpu.memory_space<hbm>>
    %dma_wait3A_528 = arith.constant 0 : i32
    %dma_wait3A_529 = arith.constant 0 : i32
    %dma_wait3A_530 = tpu.memref_slice %arg4[%arg1, %dma_wait3A_523, %dma_wait3A_528, %dma_wait3A_529] : memref<16x3x32x1024xf32, #tpu.memory_space<vmem_shared>> -> memref<1x1x32x1024xf32, #tpu.memory_space<vmem_shared>>
    %dma_wait3A_531 = tpu.memref_squeeze %dma_wait3A_530 : memref<1x1x32x1024xf32, #tpu.memory_space<vmem_shared>> -> memref<32x1024xf32, #tpu.memory_space<vmem_shared>>
    tpu.wait_dma2 semaphore(%arg6 : memref<!tpu.dma_semaphore, #tpu.memory_space<semaphore_mem>>) src(%dma_wait3A_531 : memref<32x1024xf32, #tpu.memory_space<vmem_shared>>) dst(%dma_wait3A_527 : memref<32x1024xf32, #tpu.memory_space<hbm>>)
    %dma_wait3A_532 = arith.constant 1 : i32
    %dma_wait3A_533 = arith.constant 2 : i32
    %dma_wait3A_534 = arith.constant 0 : i32
    %dma_wait3A_535 = tpu.memref_slice %arg3[%dma_wait3A_533, %add3A_397, %dma_wait3A_534] : memref<4x8192x1024xf32, #tpu.memory_space<hbm>> -> memref<1x32x1024xf32, #tpu.memory_space<hbm>>
    %dma_wait3A_536 = tpu.memref_squeeze %dma_wait3A_535 : memref<1x32x1024xf32, #tpu.memory_space<hbm>> -> memref<32x1024xf32, #tpu.memory_space<hbm>>
    %dma_wait3A_537 = arith.constant 0 : i32
    %dma_wait3A_538 = arith.constant 0 : i32
    %dma_wait3A_539 = tpu.memref_slice %arg4[%arg1, %dma_wait3A_532, %dma_wait3A_537, %dma_wait3A_538] : memref<16x3x32x1024xf32, #tpu.memory_space<vmem_shared>> -> memref<1x1x32x1024xf32, #tpu.memory_space<vmem_shared>>
    %dma_wait3A_540 = tpu.memref_squeeze %dma_wait3A_539 : memref<1x1x32x1024xf32, #tpu.memory_space<vmem_shared>> -> memref<32x1024xf32, #tpu.memory_space<vmem_shared>>
    tpu.wait_dma2 semaphore(%arg6 : memref<!tpu.dma_semaphore, #tpu.memory_space<semaphore_mem>>) src(%dma_wait3A_540 : memref<32x1024xf32, #tpu.memory_space<vmem_shared>>) dst(%dma_wait3A_536 : memref<32x1024xf32, #tpu.memory_space<hbm>>)
    %dma_wait3A_541 = arith.constant 1 : i32
    %dma_wait3A_542 = arith.constant 3 : i32
    %dma_wait3A_543 = arith.constant 0 : i32
    %dma_wait3A_544 = tpu.memref_slice %arg3[%dma_wait3A_542, %add3A_408, %dma_wait3A_543] : memref<4x8192x1024xf32, #tpu.memory_space<hbm>> -> memref<1x32x1024xf32, #tpu.memory_space<hbm>>
    %dma_wait3A_545 = tpu.memref_squeeze %dma_wait3A_544 : memref<1x32x1024xf32, #tpu.memory_space<hbm>> -> memref<32x1024xf32, #tpu.memory_space<hbm>>
    %dma_wait3A_546 = arith.constant 0 : i32
    %dma_wait3A_547 = arith.constant 0 : i32
    %dma_wait3A_548 = tpu.memref_slice %arg4[%arg1, %dma_wait3A_541, %dma_wait3A_546, %dma_wait3A_547] : memref<16x3x32x1024xf32, #tpu.memory_space<vmem_shared>> -> memref<1x1x32x1024xf32, #tpu.memory_space<vmem_shared>>
    %dma_wait3A_549 = tpu.memref_squeeze %dma_wait3A_548 : memref<1x1x32x1024xf32, #tpu.memory_space<vmem_shared>> -> memref<32x1024xf32, #tpu.memory_space<vmem_shared>>
    tpu.wait_dma2 semaphore(%arg6 : memref<!tpu.dma_semaphore, #tpu.memory_space<semaphore_mem>>) src(%dma_wait3A_549 : memref<32x1024xf32, #tpu.memory_space<vmem_shared>>) dst(%dma_wait3A_545 : memref<32x1024xf32, #tpu.memory_space<hbm>>)
    %add3A_550 = arith.constant 224 : i32
    %add3A_551 = arith.addi %mul3A_2, %add3A_550 : i32
    %dma_start3A_552 = arith.constant 1 : i32
    %dma_start3A_553 = arith.constant 0 : i32
    %dma_start3A_554 = arith.constant 0 : i32
    %dma_start3A_555 = tpu.memref_slice %arg4[%arg1, %dma_start3A_552, %dma_start3A_553, %dma_start3A_554] : memref<16x3x32x1024xf32, #tpu.memory_space<vmem_shared>> -> memref<1x1x32x1024xf32, #tpu.memory_space<vmem_shared>>
    %dma_start3A_556 = tpu.memref_squeeze %dma_start3A_555 : memref<1x1x32x1024xf32, #tpu.memory_space<vmem_shared>> -> memref<32x1024xf32, #tpu.memory_space<vmem_shared>>
    %dma_start3A_557 = arith.constant 0 : i32
    %dma_start3A_558 = tpu.memref_slice %arg2[%add3A_551, %dma_start3A_557] : memref<8192x1024xf32, #tpu.memory_space<hbm>> -> memref<32x1024xf32, #tpu.memory_space<hbm>>
    tpu.enqueue_dma source(%dma_start3A_558 : memref<32x1024xf32, #tpu.memory_space<hbm>>) target(%dma_start3A_556 : memref<32x1024xf32, #tpu.memory_space<vmem_shared>>) target_semaphore(%arg5 : memref<!tpu.dma_semaphore, #tpu.memory_space<semaphore_mem>>)
    %dma_wait3A_559 = arith.constant 0 : i32
    %dma_wait3A_560 = arith.constant 0 : i32
    %dma_wait3A_561 = arith.constant 0 : i32
    %dma_wait3A_562 = tpu.memref_slice %arg4[%arg1, %dma_wait3A_559, %dma_wait3A_560, %dma_wait3A_561] : memref<16x3x32x1024xf32, #tpu.memory_space<vmem_shared>> -> memref<1x1x32x1024xf32, #tpu.memory_space<vmem_shared>>
    %dma_wait3A_563 = tpu.memref_squeeze %dma_wait3A_562 : memref<1x1x32x1024xf32, #tpu.memory_space<vmem_shared>> -> memref<32x1024xf32, #tpu.memory_space<vmem_shared>>
    %dma_wait3A_564 = arith.constant 0 : i32
    %dma_wait3A_565 = tpu.memref_slice %arg2[%add3A_455, %dma_wait3A_564] : memref<8192x1024xf32, #tpu.memory_space<hbm>> -> memref<32x1024xf32, #tpu.memory_space<hbm>>
    tpu.wait_dma2 semaphore(%arg5 : memref<!tpu.dma_semaphore, #tpu.memory_space<semaphore_mem>>) src(%dma_wait3A_565 : memref<32x1024xf32, #tpu.memory_space<hbm>>) dst(%dma_wait3A_563 : memref<32x1024xf32, #tpu.memory_space<vmem_shared>>)
    %add3A_566 = arith.constant 192 : i32
    %add3A_567 = arith.addi %mul3A_2, %add3A_566 : i32
    %dma_start3A_568 = arith.constant 0 : i32
    %dma_start3A_569 = arith.constant 0 : i32
    %dma_start3A_570 = arith.constant 0 : i32
    %dma_start3A_571 = tpu.memref_slice %arg3[%dma_start3A_569, %add3A_567, %dma_start3A_570] : memref<4x8192x1024xf32, #tpu.memory_space<hbm>> -> memref<1x32x1024xf32, #tpu.memory_space<hbm>>
    %dma_start3A_572 = tpu.memref_squeeze %dma_start3A_571 : memref<1x32x1024xf32, #tpu.memory_space<hbm>> -> memref<32x1024xf32, #tpu.memory_space<hbm>>
    %dma_start3A_573 = arith.constant 0 : i32
    %dma_start3A_574 = arith.constant 0 : i32
    %dma_start3A_575 = tpu.memref_slice %arg4[%arg1, %dma_start3A_568, %dma_start3A_573, %dma_start3A_574] : memref<16x3x32x1024xf32, #tpu.memory_space<vmem_shared>> -> memref<1x1x32x1024xf32, #tpu.memory_space<vmem_shared>>
    %dma_start3A_576 = tpu.memref_squeeze %dma_start3A_575 : memref<1x1x32x1024xf32, #tpu.memory_space<vmem_shared>> -> memref<32x1024xf32, #tpu.memory_space<vmem_shared>>
    tpu.enqueue_dma source(%dma_start3A_576 : memref<32x1024xf32, #tpu.memory_space<vmem_shared>>) target(%dma_start3A_572 : memref<32x1024xf32, #tpu.memory_space<hbm>>) target_semaphore(%arg6 : memref<!tpu.dma_semaphore, #tpu.memory_space<semaphore_mem>>)
    %add3A_577 = arith.constant 192 : i32
    %add3A_578 = arith.addi %mul3A_2, %add3A_577 : i32
    %dma_start3A_579 = arith.constant 0 : i32
    %dma_start3A_580 = arith.constant 1 : i32
    %dma_start3A_581 = arith.constant 0 : i32
    %dma_start3A_582 = tpu.memref_slice %arg3[%dma_start3A_580, %add3A_578, %dma_start3A_581] : memref<4x8192x1024xf32, #tpu.memory_space<hbm>> -> memref<1x32x1024xf32, #tpu.memory_space<hbm>>
    %dma_start3A_583 = tpu.memref_squeeze %dma_start3A_582 : memref<1x32x1024xf32, #tpu.memory_space<hbm>> -> memref<32x1024xf32, #tpu.memory_space<hbm>>
    %dma_start3A_584 = arith.constant 0 : i32
    %dma_start3A_585 = arith.constant 0 : i32
    %dma_start3A_586 = tpu.memref_slice %arg4[%arg1, %dma_start3A_579, %dma_start3A_584, %dma_start3A_585] : memref<16x3x32x1024xf32, #tpu.memory_space<vmem_shared>> -> memref<1x1x32x1024xf32, #tpu.memory_space<vmem_shared>>
    %dma_start3A_587 = tpu.memref_squeeze %dma_start3A_586 : memref<1x1x32x1024xf32, #tpu.memory_space<vmem_shared>> -> memref<32x1024xf32, #tpu.memory_space<vmem_shared>>
    tpu.enqueue_dma source(%dma_start3A_587 : memref<32x1024xf32, #tpu.memory_space<vmem_shared>>) target(%dma_start3A_583 : memref<32x1024xf32, #tpu.memory_space<hbm>>) target_semaphore(%arg6 : memref<!tpu.dma_semaphore, #tpu.memory_space<semaphore_mem>>)
    %add3A_588 = arith.constant 192 : i32
    %add3A_589 = arith.addi %mul3A_2, %add3A_588 : i32
    %dma_start3A_590 = arith.constant 0 : i32
    %dma_start3A_591 = arith.constant 2 : i32
    %dma_start3A_592 = arith.constant 0 : i32
    %dma_start3A_593 = tpu.memref_slice %arg3[%dma_start3A_591, %add3A_589, %dma_start3A_592] : memref<4x8192x1024xf32, #tpu.memory_space<hbm>> -> memref<1x32x1024xf32, #tpu.memory_space<hbm>>
    %dma_start3A_594 = tpu.memref_squeeze %dma_start3A_593 : memref<1x32x1024xf32, #tpu.memory_space<hbm>> -> memref<32x1024xf32, #tpu.memory_space<hbm>>
    %dma_start3A_595 = arith.constant 0 : i32
    %dma_start3A_596 = arith.constant 0 : i32
    %dma_start3A_597 = tpu.memref_slice %arg4[%arg1, %dma_start3A_590, %dma_start3A_595, %dma_start3A_596] : memref<16x3x32x1024xf32, #tpu.memory_space<vmem_shared>> -> memref<1x1x32x1024xf32, #tpu.memory_space<vmem_shared>>
    %dma_start3A_598 = tpu.memref_squeeze %dma_start3A_597 : memref<1x1x32x1024xf32, #tpu.memory_space<vmem_shared>> -> memref<32x1024xf32, #tpu.memory_space<vmem_shared>>
    tpu.enqueue_dma source(%dma_start3A_598 : memref<32x1024xf32, #tpu.memory_space<vmem_shared>>) target(%dma_start3A_594 : memref<32x1024xf32, #tpu.memory_space<hbm>>) target_semaphore(%arg6 : memref<!tpu.dma_semaphore, #tpu.memory_space<semaphore_mem>>)
    %add3A_599 = arith.constant 192 : i32
    %add3A_600 = arith.addi %mul3A_2, %add3A_599 : i32
    %dma_start3A_601 = arith.constant 0 : i32
    %dma_start3A_602 = arith.constant 3 : i32
    %dma_start3A_603 = arith.constant 0 : i32
    %dma_start3A_604 = tpu.memref_slice %arg3[%dma_start3A_602, %add3A_600, %dma_start3A_603] : memref<4x8192x1024xf32, #tpu.memory_space<hbm>> -> memref<1x32x1024xf32, #tpu.memory_space<hbm>>
    %dma_start3A_605 = tpu.memref_squeeze %dma_start3A_604 : memref<1x32x1024xf32, #tpu.memory_space<hbm>> -> memref<32x1024xf32, #tpu.memory_space<hbm>>
    %dma_start3A_606 = arith.constant 0 : i32
    %dma_start3A_607 = arith.constant 0 : i32
    %dma_start3A_608 = tpu.memref_slice %arg4[%arg1, %dma_start3A_601, %dma_start3A_606, %dma_start3A_607] : memref<16x3x32x1024xf32, #tpu.memory_space<vmem_shared>> -> memref<1x1x32x1024xf32, #tpu.memory_space<vmem_shared>>
    %dma_start3A_609 = tpu.memref_squeeze %dma_start3A_608 : memref<1x1x32x1024xf32, #tpu.memory_space<vmem_shared>> -> memref<32x1024xf32, #tpu.memory_space<vmem_shared>>
    tpu.enqueue_dma source(%dma_start3A_609 : memref<32x1024xf32, #tpu.memory_space<vmem_shared>>) target(%dma_start3A_605 : memref<32x1024xf32, #tpu.memory_space<hbm>>) target_semaphore(%arg6 : memref<!tpu.dma_semaphore, #tpu.memory_space<semaphore_mem>>)
    %dma_wait3A_610 = arith.constant 1 : i32
    %dma_wait3A_611 = arith.constant 0 : i32
    %dma_wait3A_612 = arith.constant 0 : i32
    %dma_wait3A_613 = tpu.memref_slice %arg4[%arg1, %dma_wait3A_610, %dma_wait3A_611, %dma_wait3A_612] : memref<16x3x32x1024xf32, #tpu.memory_space<vmem_shared>> -> memref<1x1x32x1024xf32, #tpu.memory_space<vmem_shared>>
    %dma_wait3A_614 = tpu.memref_squeeze %dma_wait3A_613 : memref<1x1x32x1024xf32, #tpu.memory_space<vmem_shared>> -> memref<32x1024xf32, #tpu.memory_space<vmem_shared>>
    %dma_wait3A_615 = arith.constant 0 : i32
    %dma_wait3A_616 = tpu.memref_slice %arg2[%add3A_551, %dma_wait3A_615] : memref<8192x1024xf32, #tpu.memory_space<hbm>> -> memref<32x1024xf32, #tpu.memory_space<hbm>>
    tpu.wait_dma2 semaphore(%arg5 : memref<!tpu.dma_semaphore, #tpu.memory_space<semaphore_mem>>) src(%dma_wait3A_616 : memref<32x1024xf32, #tpu.memory_space<hbm>>) dst(%dma_wait3A_614 : memref<32x1024xf32, #tpu.memory_space<vmem_shared>>)
    %add3A_617 = arith.constant 224 : i32
    %add3A_618 = arith.addi %mul3A_2, %add3A_617 : i32
    %dma_start3A_619 = arith.constant 1 : i32
    %dma_start3A_620 = arith.constant 0 : i32
    %dma_start3A_621 = arith.constant 0 : i32
    %dma_start3A_622 = tpu.memref_slice %arg3[%dma_start3A_620, %add3A_618, %dma_start3A_621] : memref<4x8192x1024xf32, #tpu.memory_space<hbm>> -> memref<1x32x1024xf32, #tpu.memory_space<hbm>>
    %dma_start3A_623 = tpu.memref_squeeze %dma_start3A_622 : memref<1x32x1024xf32, #tpu.memory_space<hbm>> -> memref<32x1024xf32, #tpu.memory_space<hbm>>
    %dma_start3A_624 = arith.constant 0 : i32
    %dma_start3A_625 = arith.constant 0 : i32
    %dma_start3A_626 = tpu.memref_slice %arg4[%arg1, %dma_start3A_619, %dma_start3A_624, %dma_start3A_625] : memref<16x3x32x1024xf32, #tpu.memory_space<vmem_shared>> -> memref<1x1x32x1024xf32, #tpu.memory_space<vmem_shared>>
    %dma_start3A_627 = tpu.memref_squeeze %dma_start3A_626 : memref<1x1x32x1024xf32, #tpu.memory_space<vmem_shared>> -> memref<32x1024xf32, #tpu.memory_space<vmem_shared>>
    tpu.enqueue_dma source(%dma_start3A_627 : memref<32x1024xf32, #tpu.memory_space<vmem_shared>>) target(%dma_start3A_623 : memref<32x1024xf32, #tpu.memory_space<hbm>>) target_semaphore(%arg6 : memref<!tpu.dma_semaphore, #tpu.memory_space<semaphore_mem>>)
    %add3A_628 = arith.constant 224 : i32
    %add3A_629 = arith.addi %mul3A_2, %add3A_628 : i32
    %dma_start3A_630 = arith.constant 1 : i32
    %dma_start3A_631 = arith.constant 1 : i32
    %dma_start3A_632 = arith.constant 0 : i32
    %dma_start3A_633 = tpu.memref_slice %arg3[%dma_start3A_631, %add3A_629, %dma_start3A_632] : memref<4x8192x1024xf32, #tpu.memory_space<hbm>> -> memref<1x32x1024xf32, #tpu.memory_space<hbm>>
    %dma_start3A_634 = tpu.memref_squeeze %dma_start3A_633 : memref<1x32x1024xf32, #tpu.memory_space<hbm>> -> memref<32x1024xf32, #tpu.memory_space<hbm>>
    %dma_start3A_635 = arith.constant 0 : i32
    %dma_start3A_636 = arith.constant 0 : i32
    %dma_start3A_637 = tpu.memref_slice %arg4[%arg1, %dma_start3A_630, %dma_start3A_635, %dma_start3A_636] : memref<16x3x32x1024xf32, #tpu.memory_space<vmem_shared>> -> memref<1x1x32x1024xf32, #tpu.memory_space<vmem_shared>>
    %dma_start3A_638 = tpu.memref_squeeze %dma_start3A_637 : memref<1x1x32x1024xf32, #tpu.memory_space<vmem_shared>> -> memref<32x1024xf32, #tpu.memory_space<vmem_shared>>
    tpu.enqueue_dma source(%dma_start3A_638 : memref<32x1024xf32, #tpu.memory_space<vmem_shared>>) target(%dma_start3A_634 : memref<32x1024xf32, #tpu.memory_space<hbm>>) target_semaphore(%arg6 : memref<!tpu.dma_semaphore, #tpu.memory_space<semaphore_mem>>)
    %add3A_639 = arith.constant 224 : i32
    %add3A_640 = arith.addi %mul3A_2, %add3A_639 : i32
    %dma_start3A_641 = arith.constant 1 : i32
    %dma_start3A_642 = arith.constant 2 : i32
    %dma_start3A_643 = arith.constant 0 : i32
    %dma_start3A_644 = tpu.memref_slice %arg3[%dma_start3A_642, %add3A_640, %dma_start3A_643] : memref<4x8192x1024xf32, #tpu.memory_space<hbm>> -> memref<1x32x1024xf32, #tpu.memory_space<hbm>>
    %dma_start3A_645 = tpu.memref_squeeze %dma_start3A_644 : memref<1x32x1024xf32, #tpu.memory_space<hbm>> -> memref<32x1024xf32, #tpu.memory_space<hbm>>
    %dma_start3A_646 = arith.constant 0 : i32
    %dma_start3A_647 = arith.constant 0 : i32
    %dma_start3A_648 = tpu.memref_slice %arg4[%arg1, %dma_start3A_641, %dma_start3A_646, %dma_start3A_647] : memref<16x3x32x1024xf32, #tpu.memory_space<vmem_shared>> -> memref<1x1x32x1024xf32, #tpu.memory_space<vmem_shared>>
    %dma_start3A_649 = tpu.memref_squeeze %dma_start3A_648 : memref<1x1x32x1024xf32, #tpu.memory_space<vmem_shared>> -> memref<32x1024xf32, #tpu.memory_space<vmem_shared>>
    tpu.enqueue_dma source(%dma_start3A_649 : memref<32x1024xf32, #tpu.memory_space<vmem_shared>>) target(%dma_start3A_645 : memref<32x1024xf32, #tpu.memory_space<hbm>>) target_semaphore(%arg6 : memref<!tpu.dma_semaphore, #tpu.memory_space<semaphore_mem>>)
    %add3A_650 = arith.constant 224 : i32
    %add3A_651 = arith.addi %mul3A_2, %add3A_650 : i32
    %dma_start3A_652 = arith.constant 1 : i32
    %dma_start3A_653 = arith.constant 3 : i32
    %dma_start3A_654 = arith.constant 0 : i32
    %dma_start3A_655 = tpu.memref_slice %arg3[%dma_start3A_653, %add3A_651, %dma_start3A_654] : memref<4x8192x1024xf32, #tpu.memory_space<hbm>> -> memref<1x32x1024xf32, #tpu.memory_space<hbm>>
    %dma_start3A_656 = tpu.memref_squeeze %dma_start3A_655 : memref<1x32x1024xf32, #tpu.memory_space<hbm>> -> memref<32x1024xf32, #tpu.memory_space<hbm>>
    %dma_start3A_657 = arith.constant 0 : i32
    %dma_start3A_658 = arith.constant 0 : i32
    %dma_start3A_659 = tpu.memref_slice %arg4[%arg1, %dma_start3A_652, %dma_start3A_657, %dma_start3A_658] : memref<16x3x32x1024xf32, #tpu.memory_space<vmem_shared>> -> memref<1x1x32x1024xf32, #tpu.memory_space<vmem_shared>>
    %dma_start3A_660 = tpu.memref_squeeze %dma_start3A_659 : memref<1x1x32x1024xf32, #tpu.memory_space<vmem_shared>> -> memref<32x1024xf32, #tpu.memory_space<vmem_shared>>
    tpu.enqueue_dma source(%dma_start3A_660 : memref<32x1024xf32, #tpu.memory_space<vmem_shared>>) target(%dma_start3A_656 : memref<32x1024xf32, #tpu.memory_space<hbm>>) target_semaphore(%arg6 : memref<!tpu.dma_semaphore, #tpu.memory_space<semaphore_mem>>)
    %dma_wait3A_661 = arith.constant 2 : i32
    %dma_wait3A_662 = arith.constant 0 : i32
    %dma_wait3A_663 = arith.constant 0 : i32
    %dma_wait3A_664 = tpu.memref_slice %arg3[%dma_wait3A_662, %add3A_471, %dma_wait3A_663] : memref<4x8192x1024xf32, #tpu.memory_space<hbm>> -> memref<1x32x1024xf32, #tpu.memory_space<hbm>>
    %dma_wait3A_665 = tpu.memref_squeeze %dma_wait3A_664 : memref<1x32x1024xf32, #tpu.memory_space<hbm>> -> memref<32x1024xf32, #tpu.memory_space<hbm>>
    %dma_wait3A_666 = arith.constant 0 : i32
    %dma_wait3A_667 = arith.constant 0 : i32
    %dma_wait3A_668 = tpu.memref_slice %arg4[%arg1, %dma_wait3A_661, %dma_wait3A_666, %dma_wait3A_667] : memref<16x3x32x1024xf32, #tpu.memory_space<vmem_shared>> -> memref<1x1x32x1024xf32, #tpu.memory_space<vmem_shared>>
    %dma_wait3A_669 = tpu.memref_squeeze %dma_wait3A_668 : memref<1x1x32x1024xf32, #tpu.memory_space<vmem_shared>> -> memref<32x1024xf32, #tpu.memory_space<vmem_shared>>
    tpu.wait_dma2 semaphore(%arg6 : memref<!tpu.dma_semaphore, #tpu.memory_space<semaphore_mem>>) src(%dma_wait3A_669 : memref<32x1024xf32, #tpu.memory_space<vmem_shared>>) dst(%dma_wait3A_665 : memref<32x1024xf32, #tpu.memory_space<hbm>>)
    %dma_wait3A_670 = arith.constant 2 : i32
    %dma_wait3A_671 = arith.constant 1 : i32
    %dma_wait3A_672 = arith.constant 0 : i32
    %dma_wait3A_673 = tpu.memref_slice %arg3[%dma_wait3A_671, %add3A_482, %dma_wait3A_672] : memref<4x8192x1024xf32, #tpu.memory_space<hbm>> -> memref<1x32x1024xf32, #tpu.memory_space<hbm>>
    %dma_wait3A_674 = tpu.memref_squeeze %dma_wait3A_673 : memref<1x32x1024xf32, #tpu.memory_space<hbm>> -> memref<32x1024xf32, #tpu.memory_space<hbm>>
    %dma_wait3A_675 = arith.constant 0 : i32
    %dma_wait3A_676 = arith.constant 0 : i32
    %dma_wait3A_677 = tpu.memref_slice %arg4[%arg1, %dma_wait3A_670, %dma_wait3A_675, %dma_wait3A_676] : memref<16x3x32x1024xf32, #tpu.memory_space<vmem_shared>> -> memref<1x1x32x1024xf32, #tpu.memory_space<vmem_shared>>
    %dma_wait3A_678 = tpu.memref_squeeze %dma_wait3A_677 : memref<1x1x32x1024xf32, #tpu.memory_space<vmem_shared>> -> memref<32x1024xf32, #tpu.memory_space<vmem_shared>>
    tpu.wait_dma2 semaphore(%arg6 : memref<!tpu.dma_semaphore, #tpu.memory_space<semaphore_mem>>) src(%dma_wait3A_678 : memref<32x1024xf32, #tpu.memory_space<vmem_shared>>) dst(%dma_wait3A_674 : memref<32x1024xf32, #tpu.memory_space<hbm>>)
    %dma_wait3A_679 = arith.constant 2 : i32
    %dma_wait3A_680 = arith.constant 2 : i32
    %dma_wait3A_681 = arith.constant 0 : i32
    %dma_wait3A_682 = tpu.memref_slice %arg3[%dma_wait3A_680, %add3A_493, %dma_wait3A_681] : memref<4x8192x1024xf32, #tpu.memory_space<hbm>> -> memref<1x32x1024xf32, #tpu.memory_space<hbm>>
    %dma_wait3A_683 = tpu.memref_squeeze %dma_wait3A_682 : memref<1x32x1024xf32, #tpu.memory_space<hbm>> -> memref<32x1024xf32, #tpu.memory_space<hbm>>
    %dma_wait3A_684 = arith.constant 0 : i32
    %dma_wait3A_685 = arith.constant 0 : i32
    %dma_wait3A_686 = tpu.memref_slice %arg4[%arg1, %dma_wait3A_679, %dma_wait3A_684, %dma_wait3A_685] : memref<16x3x32x1024xf32, #tpu.memory_space<vmem_shared>> -> memref<1x1x32x1024xf32, #tpu.memory_space<vmem_shared>>
    %dma_wait3A_687 = tpu.memref_squeeze %dma_wait3A_686 : memref<1x1x32x1024xf32, #tpu.memory_space<vmem_shared>> -> memref<32x1024xf32, #tpu.memory_space<vmem_shared>>
    tpu.wait_dma2 semaphore(%arg6 : memref<!tpu.dma_semaphore, #tpu.memory_space<semaphore_mem>>) src(%dma_wait3A_687 : memref<32x1024xf32, #tpu.memory_space<vmem_shared>>) dst(%dma_wait3A_683 : memref<32x1024xf32, #tpu.memory_space<hbm>>)
    %dma_wait3A_688 = arith.constant 2 : i32
    %dma_wait3A_689 = arith.constant 3 : i32
    %dma_wait3A_690 = arith.constant 0 : i32
    %dma_wait3A_691 = tpu.memref_slice %arg3[%dma_wait3A_689, %add3A_504, %dma_wait3A_690] : memref<4x8192x1024xf32, #tpu.memory_space<hbm>> -> memref<1x32x1024xf32, #tpu.memory_space<hbm>>
    %dma_wait3A_692 = tpu.memref_squeeze %dma_wait3A_691 : memref<1x32x1024xf32, #tpu.memory_space<hbm>> -> memref<32x1024xf32, #tpu.memory_space<hbm>>
    %dma_wait3A_693 = arith.constant 0 : i32
    %dma_wait3A_694 = arith.constant 0 : i32
    %dma_wait3A_695 = tpu.memref_slice %arg4[%arg1, %dma_wait3A_688, %dma_wait3A_693, %dma_wait3A_694] : memref<16x3x32x1024xf32, #tpu.memory_space<vmem_shared>> -> memref<1x1x32x1024xf32, #tpu.memory_space<vmem_shared>>
    %dma_wait3A_696 = tpu.memref_squeeze %dma_wait3A_695 : memref<1x1x32x1024xf32, #tpu.memory_space<vmem_shared>> -> memref<32x1024xf32, #tpu.memory_space<vmem_shared>>
    tpu.wait_dma2 semaphore(%arg6 : memref<!tpu.dma_semaphore, #tpu.memory_space<semaphore_mem>>) src(%dma_wait3A_696 : memref<32x1024xf32, #tpu.memory_space<vmem_shared>>) dst(%dma_wait3A_692 : memref<32x1024xf32, #tpu.memory_space<hbm>>)
    %dma_wait3A_697 = arith.constant 0 : i32
    %dma_wait3A_698 = arith.constant 0 : i32
    %dma_wait3A_699 = arith.constant 0 : i32
    %dma_wait3A_700 = tpu.memref_slice %arg3[%dma_wait3A_698, %add3A_567, %dma_wait3A_699] : memref<4x8192x1024xf32, #tpu.memory_space<hbm>> -> memref<1x32x1024xf32, #tpu.memory_space<hbm>>
    %dma_wait3A_701 = tpu.memref_squeeze %dma_wait3A_700 : memref<1x32x1024xf32, #tpu.memory_space<hbm>> -> memref<32x1024xf32, #tpu.memory_space<hbm>>
    %dma_wait3A_702 = arith.constant 0 : i32
    %dma_wait3A_703 = arith.constant 0 : i32
    %dma_wait3A_704 = tpu.memref_slice %arg4[%arg1, %dma_wait3A_697, %dma_wait3A_702, %dma_wait3A_703] : memref<16x3x32x1024xf32, #tpu.memory_space<vmem_shared>> -> memref<1x1x32x1024xf32, #tpu.memory_space<vmem_shared>>
    %dma_wait3A_705 = tpu.memref_squeeze %dma_wait3A_704 : memref<1x1x32x1024xf32, #tpu.memory_space<vmem_shared>> -> memref<32x1024xf32, #tpu.memory_space<vmem_shared>>
    tpu.wait_dma2 semaphore(%arg6 : memref<!tpu.dma_semaphore, #tpu.memory_space<semaphore_mem>>) src(%dma_wait3A_705 : memref<32x1024xf32, #tpu.memory_space<vmem_shared>>) dst(%dma_wait3A_701 : memref<32x1024xf32, #tpu.memory_space<hbm>>)
    %dma_wait3A_706 = arith.constant 0 : i32
    %dma_wait3A_707 = arith.constant 1 : i32
    %dma_wait3A_708 = arith.constant 0 : i32
    %dma_wait3A_709 = tpu.memref_slice %arg3[%dma_wait3A_707, %add3A_578, %dma_wait3A_708] : memref<4x8192x1024xf32, #tpu.memory_space<hbm>> -> memref<1x32x1024xf32, #tpu.memory_space<hbm>>
    %dma_wait3A_710 = tpu.memref_squeeze %dma_wait3A_709 : memref<1x32x1024xf32, #tpu.memory_space<hbm>> -> memref<32x1024xf32, #tpu.memory_space<hbm>>
    %dma_wait3A_711 = arith.constant 0 : i32
    %dma_wait3A_712 = arith.constant 0 : i32
    %dma_wait3A_713 = tpu.memref_slice %arg4[%arg1, %dma_wait3A_706, %dma_wait3A_711, %dma_wait3A_712] : memref<16x3x32x1024xf32, #tpu.memory_space<vmem_shared>> -> memref<1x1x32x1024xf32, #tpu.memory_space<vmem_shared>>
    %dma_wait3A_714 = tpu.memref_squeeze %dma_wait3A_713 : memref<1x1x32x1024xf32, #tpu.memory_space<vmem_shared>> -> memref<32x1024xf32, #tpu.memory_space<vmem_shared>>
    tpu.wait_dma2 semaphore(%arg6 : memref<!tpu.dma_semaphore, #tpu.memory_space<semaphore_mem>>) src(%dma_wait3A_714 : memref<32x1024xf32, #tpu.memory_space<vmem_shared>>) dst(%dma_wait3A_710 : memref<32x1024xf32, #tpu.memory_space<hbm>>)
    %dma_wait3A_715 = arith.constant 0 : i32
    %dma_wait3A_716 = arith.constant 2 : i32
    %dma_wait3A_717 = arith.constant 0 : i32
    %dma_wait3A_718 = tpu.memref_slice %arg3[%dma_wait3A_716, %add3A_589, %dma_wait3A_717] : memref<4x8192x1024xf32, #tpu.memory_space<hbm>> -> memref<1x32x1024xf32, #tpu.memory_space<hbm>>
    %dma_wait3A_719 = tpu.memref_squeeze %dma_wait3A_718 : memref<1x32x1024xf32, #tpu.memory_space<hbm>> -> memref<32x1024xf32, #tpu.memory_space<hbm>>
    %dma_wait3A_720 = arith.constant 0 : i32
    %dma_wait3A_721 = arith.constant 0 : i32
    %dma_wait3A_722 = tpu.memref_slice %arg4[%arg1, %dma_wait3A_715, %dma_wait3A_720, %dma_wait3A_721] : memref<16x3x32x1024xf32, #tpu.memory_space<vmem_shared>> -> memref<1x1x32x1024xf32, #tpu.memory_space<vmem_shared>>
    %dma_wait3A_723 = tpu.memref_squeeze %dma_wait3A_722 : memref<1x1x32x1024xf32, #tpu.memory_space<vmem_shared>> -> memref<32x1024xf32, #tpu.memory_space<vmem_shared>>
    tpu.wait_dma2 semaphore(%arg6 : memref<!tpu.dma_semaphore, #tpu.memory_space<semaphore_mem>>) src(%dma_wait3A_723 : memref<32x1024xf32, #tpu.memory_space<vmem_shared>>) dst(%dma_wait3A_719 : memref<32x1024xf32, #tpu.memory_space<hbm>>)
    %dma_wait3A_724 = arith.constant 0 : i32
    %dma_wait3A_725 = arith.constant 3 : i32
    %dma_wait3A_726 = arith.constant 0 : i32
    %dma_wait3A_727 = tpu.memref_slice %arg3[%dma_wait3A_725, %add3A_600, %dma_wait3A_726] : memref<4x8192x1024xf32, #tpu.memory_space<hbm>> -> memref<1x32x1024xf32, #tpu.memory_space<hbm>>
    %dma_wait3A_728 = tpu.memref_squeeze %dma_wait3A_727 : memref<1x32x1024xf32, #tpu.memory_space<hbm>> -> memref<32x1024xf32, #tpu.memory_space<hbm>>
    %dma_wait3A_729 = arith.constant 0 : i32
    %dma_wait3A_730 = arith.constant 0 : i32
    %dma_wait3A_731 = tpu.memref_slice %arg4[%arg1, %dma_wait3A_724, %dma_wait3A_729, %dma_wait3A_730] : memref<16x3x32x1024xf32, #tpu.memory_space<vmem_shared>> -> memref<1x1x32x1024xf32, #tpu.memory_space<vmem_shared>>
    %dma_wait3A_732 = tpu.memref_squeeze %dma_wait3A_731 : memref<1x1x32x1024xf32, #tpu.memory_space<vmem_shared>> -> memref<32x1024xf32, #tpu.memory_space<vmem_shared>>
    tpu.wait_dma2 semaphore(%arg6 : memref<!tpu.dma_semaphore, #tpu.memory_space<semaphore_mem>>) src(%dma_wait3A_732 : memref<32x1024xf32, #tpu.memory_space<vmem_shared>>) dst(%dma_wait3A_728 : memref<32x1024xf32, #tpu.memory_space<hbm>>)
    %dma_wait3A_733 = arith.constant 1 : i32
    %dma_wait3A_734 = arith.constant 0 : i32
    %dma_wait3A_735 = arith.constant 0 : i32
    %dma_wait3A_736 = tpu.memref_slice %arg3[%dma_wait3A_734, %add3A_618, %dma_wait3A_735] : memref<4x8192x1024xf32, #tpu.memory_space<hbm>> -> memref<1x32x1024xf32, #tpu.memory_space<hbm>>
    %dma_wait3A_737 = tpu.memref_squeeze %dma_wait3A_736 : memref<1x32x1024xf32, #tpu.memory_space<hbm>> -> memref<32x1024xf32, #tpu.memory_space<hbm>>
    %dma_wait3A_738 = arith.constant 0 : i32
    %dma_wait3A_739 = arith.constant 0 : i32
    %dma_wait3A_740 = tpu.memref_slice %arg4[%arg1, %dma_wait3A_733, %dma_wait3A_738, %dma_wait3A_739] : memref<16x3x32x1024xf32, #tpu.memory_space<vmem_shared>> -> memref<1x1x32x1024xf32, #tpu.memory_space<vmem_shared>>
    %dma_wait3A_741 = tpu.memref_squeeze %dma_wait3A_740 : memref<1x1x32x1024xf32, #tpu.memory_space<vmem_shared>> -> memref<32x1024xf32, #tpu.memory_space<vmem_shared>>
    tpu.wait_dma2 semaphore(%arg6 : memref<!tpu.dma_semaphore, #tpu.memory_space<semaphore_mem>>) src(%dma_wait3A_741 : memref<32x1024xf32, #tpu.memory_space<vmem_shared>>) dst(%dma_wait3A_737 : memref<32x1024xf32, #tpu.memory_space<hbm>>)
    %dma_wait3A_742 = arith.constant 1 : i32
    %dma_wait3A_743 = arith.constant 1 : i32
    %dma_wait3A_744 = arith.constant 0 : i32
    %dma_wait3A_745 = tpu.memref_slice %arg3[%dma_wait3A_743, %add3A_629, %dma_wait3A_744] : memref<4x8192x1024xf32, #tpu.memory_space<hbm>> -> memref<1x32x1024xf32, #tpu.memory_space<hbm>>
    %dma_wait3A_746 = tpu.memref_squeeze %dma_wait3A_745 : memref<1x32x1024xf32, #tpu.memory_space<hbm>> -> memref<32x1024xf32, #tpu.memory_space<hbm>>
    %dma_wait3A_747 = arith.constant 0 : i32
    %dma_wait3A_748 = arith.constant 0 : i32
    %dma_wait3A_749 = tpu.memref_slice %arg4[%arg1, %dma_wait3A_742, %dma_wait3A_747, %dma_wait3A_748] : memref<16x3x32x1024xf32, #tpu.memory_space<vmem_shared>> -> memref<1x1x32x1024xf32, #tpu.memory_space<vmem_shared>>
    %dma_wait3A_750 = tpu.memref_squeeze %dma_wait3A_749 : memref<1x1x32x1024xf32, #tpu.memory_space<vmem_shared>> -> memref<32x1024xf32, #tpu.memory_space<vmem_shared>>
    tpu.wait_dma2 semaphore(%arg6 : memref<!tpu.dma_semaphore, #tpu.memory_space<semaphore_mem>>) src(%dma_wait3A_750 : memref<32x1024xf32, #tpu.memory_space<vmem_shared>>) dst(%dma_wait3A_746 : memref<32x1024xf32, #tpu.memory_space<hbm>>)
    %dma_wait3A_751 = arith.constant 1 : i32
    %dma_wait3A_752 = arith.constant 2 : i32
    %dma_wait3A_753 = arith.constant 0 : i32
    %dma_wait3A_754 = tpu.memref_slice %arg3[%dma_wait3A_752, %add3A_640, %dma_wait3A_753] : memref<4x8192x1024xf32, #tpu.memory_space<hbm>> -> memref<1x32x1024xf32, #tpu.memory_space<hbm>>
    %dma_wait3A_755 = tpu.memref_squeeze %dma_wait3A_754 : memref<1x32x1024xf32, #tpu.memory_space<hbm>> -> memref<32x1024xf32, #tpu.memory_space<hbm>>
    %dma_wait3A_756 = arith.constant 0 : i32
    %dma_wait3A_757 = arith.constant 0 : i32
    %dma_wait3A_758 = tpu.memref_slice %arg4[%arg1, %dma_wait3A_751, %dma_wait3A_756, %dma_wait3A_757] : memref<16x3x32x1024xf32, #tpu.memory_space<vmem_shared>> -> memref<1x1x32x1024xf32, #tpu.memory_space<vmem_shared>>
    %dma_wait3A_759 = tpu.memref_squeeze %dma_wait3A_758 : memref<1x1x32x1024xf32, #tpu.memory_space<vmem_shared>> -> memref<32x1024xf32, #tpu.memory_space<vmem_shared>>
    tpu.wait_dma2 semaphore(%arg6 : memref<!tpu.dma_semaphore, #tpu.memory_space<semaphore_mem>>) src(%dma_wait3A_759 : memref<32x1024xf32, #tpu.memory_space<vmem_shared>>) dst(%dma_wait3A_755 : memref<32x1024xf32, #tpu.memory_space<hbm>>)
    %dma_wait3A_760 = arith.constant 1 : i32
    %dma_wait3A_761 = arith.constant 3 : i32
    %dma_wait3A_762 = arith.constant 0 : i32
    %dma_wait3A_763 = tpu.memref_slice %arg3[%dma_wait3A_761, %add3A_651, %dma_wait3A_762] : memref<4x8192x1024xf32, #tpu.memory_space<hbm>> -> memref<1x32x1024xf32, #tpu.memory_space<hbm>>
    %dma_wait3A_764 = tpu.memref_squeeze %dma_wait3A_763 : memref<1x32x1024xf32, #tpu.memory_space<hbm>> -> memref<32x1024xf32, #tpu.memory_space<hbm>>
    %dma_wait3A_765 = arith.constant 0 : i32
    %dma_wait3A_766 = arith.constant 0 : i32
    %dma_wait3A_767 = tpu.memref_slice %arg4[%arg1, %dma_wait3A_760, %dma_wait3A_765, %dma_wait3A_766] : memref<16x3x32x1024xf32, #tpu.memory_space<vmem_shared>> -> memref<1x1x32x1024xf32, #tpu.memory_space<vmem_shared>>
    %dma_wait3A_768 = tpu.memref_squeeze %dma_wait3A_767 : memref<1x1x32x1024xf32, #tpu.memory_space<vmem_shared>> -> memref<32x1024xf32, #tpu.memory_space<vmem_shared>>
    tpu.wait_dma2 semaphore(%arg6 : memref<!tpu.dma_semaphore, #tpu.memory_space<semaphore_mem>>) src(%dma_wait3A_768 : memref<32x1024xf32, #tpu.memory_space<vmem_shared>>) dst(%dma_wait3A_764 : memref<32x1024xf32, #tpu.memory_space<hbm>>)
    return
  }
}

</mosaic_0001>

<sc_bundles>
// kernel: kernel.3.cloned.1.call-start
scs
__scs_entry_jumppad:
0x0: {  	(pc) =	sbr.rel $0x88, $3  }
0x1: {  	(tag) =	ssettag $0x0;
	lr =	simm.s32 $0x1  }
0x2: {  	[smem:$0x3FA0] =	sst lr;
	_ =	strace $0xD0000000  }
0x3: {  	_ = 	snop  }
0x4: {  	_ = 	snop  }
0x5: {  	_ = 	snop  }
0x6: {  	_ = 	snop  }
0x7: {  	_ = 	snop  }
__scs_overlays_trampoline_lowered:
0x8: {  	[smem:$0x3FAF] =	sst s0  }
0x9: {  	[smem:$0x3FB0] =	sst s1  }
0xa: {  	[smem:$0x3FB1] =	sst s2  }
0xb: {  	[smem:$0x3FB2] =	sst s3  }
0xc: {  	[smem:$0x3FB3] =	sst s4  }
0xd: {  	[smem:$0x3FB4] =	sst s5  }
0xe: {  	[smem:$0x3FB5] =	sst s6  }
0xf: {  	[smem:$0x3FB6] =	sst s7  }
0x10: {  	[smem:$0x3FB7] =	sst s8  }
0x11: {  	[smem:$0x3FB8] =	sst s9;
	s0 =	simm.s32 @!p0 $0x0  }
0x12: {  	s1 =	sld [smem:$0x3F9E];
	s0 =	simm.s32 @p0 $0x1  }
0x13: {  	[smem:$0x3FB9] =	sst s0;
	s0 =	simm.s32 @!p1 $0x0  }
0x14: {  	s2 =	sld [smem:$0x3F9D];
	s0 =	simm.s32 @p1 $0x1  }
0x15: {  	[smem:$0x3FBA] =	sst s0;
	s0 =	simm.s32 @!p2 $0x0  }
0x16: {  	s3 =	sld [smem:$0x3FDB];
	s0 =	simm.s32 @p2 $0x1  }
0x17: {  	s4 =	simm.s32 $0x1BF5;
	[smem:$0x3FBC] =	sst s0  }
0x18: {  	s0 =	sld [smem:$0x3F9F];
	_ =	swait.ge [sflag:s4], $0x0  }
0x19: {  	s7 =	sld [smem:$0x3FA0]  }
0x1a: {  	s8 =	sadd.s32 $0xFFFFE003, lr  }
0x1b: {  	s9 =	sadd.s32 $0xFFFFFEF7, lr;
	s5 =	simm.s32 $0xFFFFFFFF;
	p2 =	slt.u32 s8, $0xFFFFF086  }
0x1c: {  	p1 =	slt.u32 s9, $0xF7A;
	s5 =	simm.s32 @!p2 $0x0  }
0x1d: {  	s5 =	simm.s32 @p1 $0x1;
	p0 =	seq.s32 s7, s2  }
0x1e: {  	s7 =	smul.u32 @!p0 $0xF7A, s2;
	p2 =	seq.s32 @!p0 s5, $0x0  }
0x1f: {  	s9 =	smul.u32 $0xF7A, s1;
	s8 =	simm.s32 @!p0 $0x1BF5;
	p2 =	por !p2, p0  }
0x20: {  	[sflag:s8] =	ssyncset.s32 @!p0 $0xFFFFF086;
	s6 =	sadd.s32 @!p0 s3, s7;
	s7 =	simm.s32 @!p0 $0x108  }
0x21: {  	s3 =	sadd.s32 s3, s9;
	s6 =	sadd.s32 @!p0 $0x88, s6;
	s7 =	simm.s32 @p2 $0x1082  }
0x22: {  	[simem:s7], [sflag:s8] =	dma.local @!p0 [hbm:s6], $0xF7A  }
0x23: {  	s9 =	sor.u32 $0xD0000000, s2;
	s6 =	simm.s32 $0x108;
	_ =	swait.ge @!p0 [sflag:s8], $0x0  }
0x24: {  	s3 =	sadd.s32 $0x88, s3;
	s6 =	simm.s32 @!p1 $0x1082;
	[sflag:s4] =	ssyncset.s32 $0xFFFFF086  }
0x25: {  	[simem:s6], [sflag:s4] =	dma.local [hbm:s3], $0xF7A  }
0x26: {  	[smem:$0x3FA0] =	sst s1;
	(tag) =	ssettag s2;
	_ =	strace s9  }
0x27: {  	s1 =	sld [smem:$0x3FB0]  }
0x28: {  	s2 =	sld [smem:$0x3FB1]  }
0x29: {  	s4 =	sld [smem:$0x3FB3]  }
0x2a: {  	p0 =	seq.s32 s5, $0x0;
	s5 =	sld [smem:$0x3FB4]  }
0x2b: {  	s6 =	sld [smem:$0x3FB5]  }
0x2c: {  	s7 =	sld [smem:$0x3FB6]  }
0x2d: {  	s3 =	simm.s32 $0x108;
	s8 =	sld [smem:$0x3FB7]  }
0x2e: {  	s3 =	simm.s32 @!p0 $0x1082;
	s9 =	sld [smem:$0x3FB8]  }
0x2f: {  	lr =	sadd.s32 s0, s3;
	s0 =	sld [smem:$0x3FAF]  }
0x30: {  	s3 =	sld [smem:$0x3FB2]  }
0x31: {  	[smem:$0x3FBB] =	sst s10  }
0x32: {  	s10 =	sld [smem:$0x3FB9];
	_ =	sdelay $0x3  }
0x33: {  	p0 =	seq.s32 s10, $0x1;
	s10 =	sld [smem:$0x3FBB];
	_ =	sdelay $0x3  }
0x34: {  	[smem:$0x3FBB] =	sst s10  }
0x35: {  	s10 =	sld [smem:$0x3FBA];
	_ =	sdelay $0x3  }
0x36: {  	p1 =	seq.s32 s10, $0x1;
	s10 =	sld [smem:$0x3FBB];
	_ =	sdelay $0x3  }
0x37: {  	[smem:$0x3FBB] =	sst s10  }
0x38: {  	s10 =	sld [smem:$0x3FBC]  }
0x39: {  	_ = 	snop;
	(pc) =	sbr.ind lr, $3  }
0x3a: {  	_ = 	snop  }
0x3b: {  	_ = 	snop  }
0x3c: {  	p2 =	seq.s32 s10, $0x1;
	s10 =	sld [smem:$0x3FBB]  }
0x3d: {  	_ =	shalt  }
0x3e: {  	_ =	shalt  }
0x3f: {  	_ =	shalt  }
0x40: {  	_ =	shalt  }
0x41: {  	_ =	shalt  }
0x42: {  	_ =	shalt  }
0x43: {  	_ =	shalt  }
0x44: {  	_ =	shalt  }
0x45: {  	_ =	shalt  }
0x46: {  	_ =	shalt  }
0x47: {  	_ =	shalt  }
0x48: {  	_ =	shalt  }
0x49: {  	_ =	shalt  }
0x4a: {  	_ =	shalt  }
0x4b: {  	_ =	shalt  }
0x4c: {  	_ =	shalt  }
0x4d: {  	_ =	shalt  }
0x4e: {  	_ =	shalt  }
0x4f: {  	_ =	shalt  }
0x50: {  	_ =	shalt  }
0x51: {  	_ =	shalt  }
0x52: {  	_ =	shalt  }
0x53: {  	_ =	shalt  }
0x54: {  	_ =	shalt  }
0x55: {  	_ =	shalt  }
0x56: {  	_ =	shalt  }
0x57: {  	_ =	shalt  }
0x58: {  	_ =	shalt  }
0x59: {  	_ =	shalt  }
0x5a: {  	_ =	shalt  }
0x5b: {  	_ =	shalt  }
0x5c: {  	_ =	shalt  }
0x5d: {  	_ =	shalt  }
0x5e: {  	_ =	shalt  }
0x5f: {  	_ =	shalt  }
0x60: {  	_ =	shalt  }
0x61: {  	_ =	shalt  }
0x62: {  	_ =	shalt  }
0x63: {  	_ =	shalt  }
0x64: {  	_ =	shalt  }
0x65: {  	_ =	shalt  }
0x66: {  	_ =	shalt  }
0x67: {  	_ =	shalt  }
0x68: {  	_ =	shalt  }
0x69: {  	_ =	shalt  }
0x6a: {  	_ =	shalt  }
0x6b: {  	_ =	shalt  }
0x6c: {  	_ =	shalt  }
0x6d: {  	_ =	shalt  }
0x6e: {  	_ =	shalt  }
0x6f: {  	_ =	shalt  }
0x70: {  	_ =	shalt  }
0x71: {  	_ =	shalt  }
0x72: {  	_ =	shalt  }
0x73: {  	_ =	shalt  }
0x74: {  	_ =	shalt  }
0x75: {  	_ =	shalt  }
0x76: {  	_ =	shalt  }
0x77: {  	_ =	shalt  }
0x78: {  	_ =	shalt  }
0x79: {  	_ =	shalt  }
0x7a: {  	_ =	shalt  }
0x7b: {  	_ =	shalt  }
0x7c: {  	_ =	shalt  }
0x7d: {  	_ =	shalt  }
0x7e: {  	_ =	shalt  }
0x7f: {  	_ =	shalt  }
0x80: {  	_ =	shalt  }
0x81: {  	_ =	shalt  }
0x82: {  	_ =	shalt  }
0x83: {  	_ =	shalt  }
0x84: {  	_ =	shalt  }
0x85: {  	_ =	shalt  }
0x86: {  	_ =	shalt  }
0x87: {  	_ =	shalt  }
.Lfunc_end0:
.L_simem_size_0:
called_computation_lowered:
.L_overlay_start_0:
0x88: {  	s2 =	sld [smem:$0x3FD9]  }
0x89: {  	s3 =	sld [smem:$0x3FFE];
	_ =	sdelay $0x1  }
0x8a: {  	s1 =	srdreg.scid  }
0x8b: {  	s0 =	sand.u32 $0x1, s1  }
0x8c: {  	s18 =	sshll.u32 s0, $0xA;
	s2 =	sadd.s32 s3, s2  }
0x8d: {  	s2 =	sadd.s32 s2, s18  }
0x8e: {  	[smem:$0x3FC7] =	sst s2  }
0x8f: {  	_ = 	snop  }
0x90: {  	s2 =	sld [smem:$0x3FC9]  }
0x91: {  	s19 =	sld [smem:$0x3FD0];
	(tm) =	ssettm $0x1  }
0x92: {  	s4 =	sld [smem:$0x3FFB];
	_ =	sdelay $0x3  }
0x93: {  	_ =	strace s4  }
0x94: {  	s4 =	sld [smem:$0x3FFC];
	_ =	sdelay $0x3  }
0x95: {  	_ =	strace s4  }
0x96: {  	s4 =	sld [smem:$0x3FFD];
	_ =	sdelay $0x3  }
0x97: {  	_ =	strace s4  }
0x98: {  	_ =	strace $0x8FFFFFFF  }
0x99: {  	s20 =	sld [smem:$0x3FDB];
	_ =	sdelay $0x1  }
0x9a: {  	s5 =	simm.s32 $_scs_section_size  }
0x9b: {  	s6 =	simm.s32 $_size__tile_overlayer_lowered;
	s7 =	simm.s32 $_tile_overlayer_lowered  }
0x9c: {  	s23 =	simm.s32 $0x1BFF;
	s22 =	sshll.u32 s7, $0x1;
	s4 =	sadd.s32 s5, s20  }
0x9d: {  	s8 =	simm.s32 $0x0;
	s21 =	sshll.u32 s6, $0x1;
	s6 =	sadd.s32 s22, s4  }
0x9e: {  	[timem:s8], [sflag:s23] =	dma.local [hbm:s6], s21  }
0x9f: {  	_ =	swait.ge [sflag:s23], s21  }
0xa0: {  	s5 =	ssub.s32 $0x0, s21;
	[sflag:s23] =	ssyncset.done $0x0  }
0xa1: {  	[sflag:s23] =	ssyncadd.s32 s5;
	_ =	sdelay $0x1  }
0xa2: {  	s24 =	simm.s32 $0x1B8B  }
0xa3: {  	_ =	swait.ge [sflag:s24], $0x1  }
0xa4: {  	[sflag:s24] =	ssyncset.done $0x0  }
0xa5: {  	s25 =	simm.s32 $0x1B8E;
	[sflag:s24] =	ssyncadd.s32 $0xFFFFFFFF  }
0xa6: {  	s26 =	simm.s32 $execute0_lowered;
	[smem:$0x3FD2] =	sst s25  }
0xa7: {  	s5 =	sshll.u32 s26, $0x1;
	_ =	strace $0x80000046;
	[dreg:$0x1] =	wrdreg $0xFFFFFFFF  }
0xa8: {  	s28 =	simm.s32 $_size_execute0_lowered;
	s4 =	sadd.s32 s4, s5;
	[dreg:$0x0] =	wrdreg $0x0  }
0xa9: {  	s5 =	sshll.u32 s28, $0x1;
	[dreg:$0x2] =	wrdreg s4  }
0xaa: {  	[dreg:$0x3] =	wrdreg s5  }
0xab: {  	[dreg:$0x4] =	wrdreg $0xC0  }
0xac: {  	_ =	task [dreg:s8], $0x5FFFF  }
0xad: {  	[dreg:$0x1] =	wrdreg $0xFFFFFFFF  }
0xae: {  	[dreg:$0x0] =	wrdreg $0x60  }
0xaf: {  	[dreg:$0x2] =	wrdreg s2  }
0xb0: {  	[dreg:$0x3] =	wrdreg s19  }
0xb1: {  	[dreg:$0x4] =	wrdreg $0x0  }
0xb2: {  	[dreg:$0x5] =	wrdreg $0x9  }
0xb3: {  	_ =	task.clear_ibuf [dreg:s8], $0x6FFFF;
	_ =	strace $0x90000046  }
0xb4: {  	s29 =	simm.s32 $0x9;
	_ =	strace $0x80000048  }
0xb5: {  	_ =	swait.ge [sflag:s29], $0x1  }
0xb6: {  	[sflag:s29] =	ssyncadd.s32 $0xFFFFFFFF  }
0xb7: {  	_ =	strace $0x90000048  }
0xb8: {  	_ =	sfence  }
0xb9: {  	s30 =	sld [smem:$0x0];
	_ =	sdelay $0x2  }
0xba: {  	s31 =	sshll.u32 s1, $0xD;
	s1 =	sshrl.u32 s1, $0x2  }
0xbb: {  	s3 =	sand.u32 $0x4000, s31;
	s1 =	sadd.s32 s1, s30  }
0xbc: {  	s0 =	sor.u32 s3, s0;
	s1 =	sshll.u32 s1, $0x11  }
0xbd: {  	s0 =	sor.u32 s1, s0  }
0xbe: {  	s0 =	sadd.s32 $0x8F2B, s0  }
0xbf: {  	[sflag:s0] =	ssyncadd.remote.s32 $0x1  }
0xc0: {  	_ =	sfence.sel $0xFFFF  }
0xc1: {  	[dreg:$0x0] =	wrdreg $0xFFFFFFFF;
	(pc) =	sbr.abs _section_cstart, $3  }
0xc2: {  	[dreg:$0x1] =	wrdreg $0xFFFFFFFF  }
0xc3: {  	_ =	task.clear_ibuf [dreg:s8], $0x2FFFF;
	_ =	strace $0x9FFFFFFF  }
0xc4: {  	(tm) =	ssettm $0x7FFFFFFF  }
0xc5: {  	_ =	shalt  }
tec
execute0_lowered:
.L_overlay_start_1:
0x0: {  	(tag) =	ssettag $0x1  }
0x1: {  	s4 =	rddreg [dreg:$0x0]  }
0x2: {  	s2 =	rddreg [dreg:$0x1]  }
0x3: {  	s0 =	rddreg [dreg:$0x2];
	s3 =	srdreg.scid  }
0x4: {  	s30 =	rddreg [dreg:$0x3];
	s1 =	stileid.u32;
	s3 =	sand.u32 $0x1, s3  }
0x5: {  	s5 =	simm.s32 $0x0;
	s6 =	sshll.u32 s1, $0x10;
	s7 =	sshll.u32 s3, $0xF  }
0x6: {  	[smem:$0x7FF] =	sst s5;
	s5 =	sor.u32 s7, s6  }
0x7: {  	_ =	strace $0x80000047;
	s6 =	sadd.s32 s4, s5;
	s7 =	sor.u32 $0x1000, s5  }
0x8: {  	s28 =	sadd.s32 s2, s5;
	[dreg:$0x4] =	wrdreg s6;
	s25 =	sadd.s32 s4, s7  }
0x9: {  	s26 =	sadd.s32 $0x100000, s28;
	[dreg:$0x5] =	wrdreg s25  }
0xa: {  	s8 =	sadd.s32 $0x200000, s28;
	[dreg:$0x6] =	wrdreg s26  }
0xb: {  	s9 =	sadd.s32 $0x300000, s28;
	[dreg:$0x7] =	wrdreg s8  }
0xc: {  	s11 =	sadd.s32 s2, s7;
	[dreg:$0x8] =	wrdreg s9  }
0xd: {  	p0 =	por $0x0, $0x0;
	s12 =	sadd.s32 $0x101000, s28;
	[dreg:$0xa] =	wrdreg s11  }
0xe: {  	s29 =	sshll.u32 s1, $0x6;
	s13 =	sadd.s32 $0x201000, s28;
	[dreg:$0xb] =	wrdreg s12  }
0xf: {  	s15 =	sor.u32 $0x3000, s5;
	s14 =	sadd.s32 $0x301000, s28;
	[dreg:$0xc] =	wrdreg s13  }
0x10: {  	s3 =	ssub.s32 $0x2, s3;
	s16 =	sadd.s32 s4, s15;
	[dreg:$0xd] =	wrdreg s14  }
0x11: {  	s22 =	sor.u32 $0x4000, s5;
	s18 =	sadd.s32 $0x102000, s28;
	[dreg:$0xe] =	wrdreg s16  }
0x12: {  	s20 =	sadd.s32 $0x202000, s28;
	s21 =	sadd.s32 $0x302000, s28;
	[dreg:$0x10] =	wrdreg s18  }
0x13: {  	s23 =	sadd.s32 s4, s22;
	s24 =	sadd.s32 s2, s15;
	[dreg:$0x11] =	wrdreg s20  }
0x14: {  	s7 =	sadd.s32 $0x303000, s28;
	s22 =	sadd.s32 s2, s22;
	[dreg:$0x12] =	wrdreg s21  }
0x15: {  	s8 =	sor.u32 $0x2000, s5;
	s9 =	sshrl.u32 s3, $0x1;
	[dreg:$0x13] =	wrdreg s23  }
0x16: {  	[dreg:$0x14] =	wrdreg s24;
	s25 =	sadd.s32 $0x103000, s28;
	s26 =	sadd.s32 $0x203000, s28  }
0x17: {  	[dreg:$0x17] =	wrdreg s7;
	s23 =	sadd.s32 $0x104000, s28;
	s24 =	sadd.s32 $0x204000, s28  }
0x18: {  	s18 =	sadd.s32 $0x205000, s28;
	s10 =	sadd.s32 s4, s8;
	s17 =	sadd.s32 s2, s8  }
0x19: {  	s12 =	ssub.s32 s3, s9;
	s3 =	sor.u32 $0x1C01, s29;
	[dreg:$0x15] =	wrdreg s25  }
0x1a: {  	[dreg:$0x16] =	wrdreg s26;
	s9 =	sor.u32 $0x5000, s5;
	s25 =	sadd.s32 $0x304000, s28  }
0x1b: {  	s8 =	sadd.s32 $0x106000, s28;
	[dreg:$0x9] =	wrdreg s10;
	s10 =	smul.u32 $0x60000, s1  }
0x1c: {  	[dreg:$0xf] =	wrdreg s17;
	s26 =	sadd.s32 s4, s9;
	s16 =	sadd.s32 s2, s9  }
0x1d: {  	s17 =	sadd.s32 $0x105000, s28;
	s9 =	sadd.s32 $0x206000, s28;
	s15 =	smax.u32 s12, $0x1  }
0x1e: {  	s12 =	sadd.s32 $0x207000, s28;
	p1 =	sne.s32 s15, $0x1;
	s31 =	sadd.s32 $0xFFFFFFFF, s15  }
0x1f: {  	s19 =	sshrl.u32 s10, $0x2;
	s10 =	sor.u32 $0x6000, s5;
	s5 =	sor.u32 $0x7000, s5  }
0x20: {  	s0 =	sadd.s32 s19, s0;
	s20 =	sadd.s32 s4, s10;
	s19 =	sadd.s32 $0x305000, s28  }
.Ltmp0:
0x21: {  	s11 =	sadd.s32 s4, s5;
	s7 =	sadd.s32 s2, s10;
	(pc) =	sbr.rel @!p1 .LBB2_5-.Ltmp0, $4  }
0x22: {  	s10 =	sadd.s32 $0x306000, s28;
	s4 =	sadd.s32 s2, s5;
	s5 =	sadd.s32 $0x107000, s28  }
0x23: {  	s2 =	simm.s32 $0x2;
	s13 =	sadd.s32 $0x8000, s0;
	s14 =	sadd.s32 $0x10000, s0  }
0x24: {  	s15 =	sshrl.u32 s0, $0x3;
	s0 =	rddreg [dreg:$0x4];
	s6 =	sshrl.u32 s13, $0x3  }
0x25: {  	s21 =	sshrl.u32 s14, $0x3;
	s13 =	sadd.s32 $0x307000, s28;
	s14 =	simm.s32 $0x1  }
0x26: {  	[spmem:s15], [sflag:s3] =	dma.local [hbm:s0], $0x1000  }
0x27: {  	s0 =	rddreg [dreg:$0x5]  }
0x28: {  	[spmem:s6], [sflag:s3] =	dma.local [hbm:s0], $0x1000  }
0x29: {  	_ =	swait.ge [sflag:s14], $0x1000  }
0x2a: {  	[sflag:s14] =	ssyncset.done $0x0  }
0x2b: {  	s30 =	sor.u32 $0x1C02, s29;
	[sflag:s14] =	ssyncadd.s32 $0xFFFFF000  }
0x2c: {  	[hbm:s28], [sflag:s30] =	dma.local [spmem:s15], $0x1000  }
0x2d: {  	s0 =	rddreg [dreg:$0x6]  }
0x2e: {  	[hbm:s0], [sflag:s30] =	dma.local [spmem:s15], $0x1000  }
0x2f: {  	s0 =	rddreg [dreg:$0x7]  }
0x30: {  	[hbm:s0], [sflag:s30] =	dma.local [spmem:s15], $0x1000  }
0x31: {  	s0 =	rddreg [dreg:$0x8]  }
0x32: {  	[hbm:s0], [sflag:s30] =	dma.local [spmem:s15], $0x1000  }
0x33: {  	s0 =	rddreg [dreg:$0x9]  }
0x34: {  	[spmem:s21], [sflag:s3] =	dma.local [hbm:s0], $0x1000  }
0x35: {  	_ =	swait.ge [sflag:s14], $0x1000  }
0x36: {  	[sflag:s14] =	ssyncset.done $0x0  }
0x37: {  	s0 =	rddreg [dreg:$0xa];
	[sflag:s14] =	ssyncadd.s32 $0xFFFFF000  }
0x38: {  	[hbm:s0], [sflag:s30] =	dma.local [spmem:s6], $0x1000  }
0x39: {  	s0 =	rddreg [dreg:$0xb]  }
0x3a: {  	[hbm:s0], [sflag:s30] =	dma.local [spmem:s6], $0x1000  }
0x3b: {  	s0 =	rddreg [dreg:$0xc]  }
0x3c: {  	[hbm:s0], [sflag:s30] =	dma.local [spmem:s6], $0x1000  }
0x3d: {  	s0 =	rddreg [dreg:$0xd]  }
0x3e: {  	[hbm:s0], [sflag:s30] =	dma.local [spmem:s6], $0x1000  }
0x3f: {  	_ =	swait.ge [sflag:s2], $0x1000  }
0x40: {  	[sflag:s2] =	ssyncset.done $0x0  }
0x41: {  	[sflag:s2] =	ssyncadd.s32 $0xFFFFF000  }
0x42: {  	_ =	swait.ge [sflag:s2], $0x1000  }
0x43: {  	[sflag:s2] =	ssyncset.done $0x0  }
0x44: {  	[sflag:s2] =	ssyncadd.s32 $0xFFFFF000  }
0x45: {  	_ =	swait.ge [sflag:s2], $0x1000  }
0x46: {  	[sflag:s2] =	ssyncset.done $0x0  }
0x47: {  	[sflag:s2] =	ssyncadd.s32 $0xFFFFF000  }
0x48: {  	_ =	swait.ge [sflag:s2], $0x1000  }
0x49: {  	[sflag:s2] =	ssyncset.done $0x0  }
0x4a: {  	s0 =	rddreg [dreg:$0xe];
	[sflag:s2] =	ssyncadd.s32 $0xFFFFF000  }
0x4b: {  	[spmem:s15], [sflag:s3] =	dma.local [hbm:s0], $0x1000  }
0x4c: {  	_ =	swait.ge [sflag:s14], $0x1000  }
0x4d: {  	[sflag:s14] =	ssyncset.done $0x0  }
0x4e: {  	s0 =	rddreg [dreg:$0xf];
	[sflag:s14] =	ssyncadd.s32 $0xFFFFF000  }
0x4f: {  	[hbm:s0], [sflag:s30] =	dma.local [spmem:s21], $0x1000  }
0x50: {  	s0 =	rddreg [dreg:$0x10]  }
0x51: {  	[hbm:s0], [sflag:s30] =	dma.local [spmem:s21], $0x1000  }
0x52: {  	s0 =	rddreg [dreg:$0x11]  }
0x53: {  	[hbm:s0], [sflag:s30] =	dma.local [spmem:s21], $0x1000  }
0x54: {  	s0 =	rddreg [dreg:$0x12]  }
0x55: {  	[hbm:s0], [sflag:s30] =	dma.local [spmem:s21], $0x1000  }
0x56: {  	_ =	swait.ge [sflag:s2], $0x1000  }
0x57: {  	[sflag:s2] =	ssyncset.done $0x0  }
0x58: {  	[sflag:s2] =	ssyncadd.s32 $0xFFFFF000  }
0x59: {  	_ =	swait.ge [sflag:s2], $0x1000  }
0x5a: {  	[sflag:s2] =	ssyncset.done $0x0  }
0x5b: {  	[sflag:s2] =	ssyncadd.s32 $0xFFFFF000  }
0x5c: {  	_ =	swait.ge [sflag:s2], $0x1000  }
0x5d: {  	[sflag:s2] =	ssyncset.done $0x0  }
0x5e: {  	[sflag:s2] =	ssyncadd.s32 $0xFFFFF000  }
0x5f: {  	_ =	swait.ge [sflag:s2], $0x1000  }
0x60: {  	[sflag:s2] =	ssyncset.done $0x0  }
0x61: {  	s0 =	rddreg [dreg:$0x13];
	[sflag:s2] =	ssyncadd.s32 $0xFFFFF000  }
0x62: {  	[spmem:s6], [sflag:s3] =	dma.local [hbm:s0], $0x1000  }
0x63: {  	_ =	swait.ge [sflag:s14], $0x1000  }
0x64: {  	[sflag:s14] =	ssyncset.done $0x0  }
0x65: {  	s0 =	rddreg [dreg:$0x14];
	[sflag:s14] =	ssyncadd.s32 $0xFFFFF000  }
0x66: {  	[hbm:s0], [sflag:s30] =	dma.local [spmem:s15], $0x1000  }
0x67: {  	s0 =	rddreg [dreg:$0x15]  }
0x68: {  	[hbm:s0], [sflag:s30] =	dma.local [spmem:s15], $0x1000  }
0x69: {  	s0 =	rddreg [dreg:$0x16]  }
0x6a: {  	[hbm:s0], [sflag:s30] =	dma.local [spmem:s15], $0x1000  }
0x6b: {  	s0 =	rddreg [dreg:$0x17]  }
0x6c: {  	[hbm:s0], [sflag:s30] =	dma.local [spmem:s15], $0x1000  }
0x6d: {  	_ =	swait.ge [sflag:s2], $0x1000  }
0x6e: {  	[sflag:s2] =	ssyncset.done $0x0  }
0x6f: {  	[sflag:s2] =	ssyncadd.s32 $0xFFFFF000  }
0x70: {  	_ =	swait.ge [sflag:s2], $0x1000  }
0x71: {  	[sflag:s2] =	ssyncset.done $0x0  }
0x72: {  	[sflag:s2] =	ssyncadd.s32 $0xFFFFF000  }
0x73: {  	_ =	swait.ge [sflag:s2], $0x1000  }
0x74: {  	[sflag:s2] =	ssyncset.done $0x0  }
0x75: {  	[sflag:s2] =	ssyncadd.s32 $0xFFFFF000  }
0x76: {  	_ =	swait.ge [sflag:s2], $0x1000  }
0x77: {  	[sflag:s2] =	ssyncset.done $0x0  }
0x78: {  	[sflag:s2] =	ssyncadd.s32 $0xFFFFF000  }
0x79: {  	[spmem:s21], [sflag:s3] =	dma.local [hbm:s26], $0x1000  }
0x7a: {  	_ =	swait.ge [sflag:s14], $0x1000  }
0x7b: {  	[sflag:s14] =	ssyncset.done $0x0  }
0x7c: {  	[sflag:s14] =	ssyncadd.s32 $0xFFFFF000  }
0x7d: {  	[hbm:s22], [sflag:s30] =	dma.local [spmem:s6], $0x1000  }
0x7e: {  	[hbm:s23], [sflag:s30] =	dma.local [spmem:s6], $0x1000  }
0x7f: {  	[hbm:s24], [sflag:s30] =	dma.local [spmem:s6], $0x1000  }
0x80: {  	[hbm:s25], [sflag:s30] =	dma.local [spmem:s6], $0x1000  }
0x81: {  	_ =	swait.ge [sflag:s2], $0x1000  }
0x82: {  	[sflag:s2] =	ssyncset.done $0x0  }
0x83: {  	[sflag:s2] =	ssyncadd.s32 $0xFFFFF000  }
0x84: {  	_ =	swait.ge [sflag:s2], $0x1000  }
0x85: {  	[sflag:s2] =	ssyncset.done $0x0  }
0x86: {  	[sflag:s2] =	ssyncadd.s32 $0xFFFFF000  }
0x87: {  	_ =	swait.ge [sflag:s2], $0x1000  }
0x88: {  	[sflag:s2] =	ssyncset.done $0x0  }
0x89: {  	[sflag:s2] =	ssyncadd.s32 $0xFFFFF000  }
0x8a: {  	_ =	swait.ge [sflag:s2], $0x1000  }
0x8b: {  	[sflag:s2] =	ssyncset.done $0x0  }
0x8c: {  	[sflag:s2] =	ssyncadd.s32 $0xFFFFF000  }
0x8d: {  	[spmem:s15], [sflag:s3] =	dma.local [hbm:s20], $0x1000  }
0x8e: {  	_ =	swait.ge [sflag:s14], $0x1000  }
0x8f: {  	[sflag:s14] =	ssyncset.done $0x0  }
0x90: {  	[sflag:s14] =	ssyncadd.s32 $0xFFFFF000  }
0x91: {  	[hbm:s16], [sflag:s30] =	dma.local [spmem:s21], $0x1000  }
0x92: {  	[hbm:s17], [sflag:s30] =	dma.local [spmem:s21], $0x1000  }
0x93: {  	[hbm:s18], [sflag:s30] =	dma.local [spmem:s21], $0x1000  }
0x94: {  	[hbm:s19], [sflag:s30] =	dma.local [spmem:s21], $0x1000  }
0x95: {  	_ =	swait.ge [sflag:s2], $0x1000  }
0x96: {  	[sflag:s2] =	ssyncset.done $0x0  }
0x97: {  	[sflag:s2] =	ssyncadd.s32 $0xFFFFF000  }
0x98: {  	_ =	swait.ge [sflag:s2], $0x1000  }
0x99: {  	[sflag:s2] =	ssyncset.done $0x0  }
0x9a: {  	[sflag:s2] =	ssyncadd.s32 $0xFFFFF000  }
0x9b: {  	_ =	swait.ge [sflag:s2], $0x1000  }
0x9c: {  	[sflag:s2] =	ssyncset.done $0x0  }
0x9d: {  	[sflag:s2] =	ssyncadd.s32 $0xFFFFF000  }
0x9e: {  	_ =	swait.ge [sflag:s2], $0x1000  }
0x9f: {  	[sflag:s2] =	ssyncset.done $0x0  }
0xa0: {  	[sflag:s2] =	ssyncadd.s32 $0xFFFFF000  }
0xa1: {  	[spmem:s6], [sflag:s3] =	dma.local [hbm:s11], $0x1000  }
0xa2: {  	_ =	swait.ge [sflag:s14], $0x1000  }
0xa3: {  	[sflag:s14] =	ssyncset.done $0x0  }
0xa4: {  	[sflag:s14] =	ssyncadd.s32 $0xFFFFF000  }
0xa5: {  	[hbm:s7], [sflag:s30] =	dma.local [spmem:s15], $0x1000  }
0xa6: {  	[hbm:s8], [sflag:s30] =	dma.local [spmem:s15], $0x1000  }
0xa7: {  	[hbm:s9], [sflag:s30] =	dma.local [spmem:s15], $0x1000  }
0xa8: {  	[hbm:s10], [sflag:s30] =	dma.local [spmem:s15], $0x1000  }
0xa9: {  	_ =	swait.ge [sflag:s14], $0x1000  }
0xaa: {  	[sflag:s14] =	ssyncset.done $0x0  }
0xab: {  	[sflag:s14] =	ssyncadd.s32 $0xFFFFF000  }
0xac: {  	[hbm:s4], [sflag:s30] =	dma.local [spmem:s6], $0x1000  }
0xad: {  	[hbm:s5], [sflag:s30] =	dma.local [spmem:s6], $0x1000  }
0xae: {  	[hbm:s12], [sflag:s30] =	dma.local [spmem:s6], $0x1000  }
0xaf: {  	[hbm:s13], [sflag:s30] =	dma.local [spmem:s6], $0x1000  }
0xb0: {  	_ =	swait.ge [sflag:s2], $0x1000  }
0xb1: {  	[sflag:s2] =	ssyncset.done $0x0  }
0xb2: {  	[sflag:s2] =	ssyncadd.s32 $0xFFFFF000  }
0xb3: {  	_ =	swait.ge [sflag:s2], $0x1000  }
0xb4: {  	[sflag:s2] =	ssyncset.done $0x0  }
0xb5: {  	[sflag:s2] =	ssyncadd.s32 $0xFFFFF000  }
0xb6: {  	_ =	swait.ge [sflag:s2], $0x1000  }
0xb7: {  	[sflag:s2] =	ssyncset.done $0x0  }
0xb8: {  	[sflag:s2] =	ssyncadd.s32 $0xFFFFF000  }
0xb9: {  	_ =	swait.ge [sflag:s2], $0x1000  }
0xba: {  	[sflag:s2] =	ssyncset.done $0x0  }
0xbb: {  	[sflag:s2] =	ssyncadd.s32 $0xFFFFF000  }
0xbc: {  	_ =	swait.ge [sflag:s2], $0x1000  }
0xbd: {  	[sflag:s2] =	ssyncset.done $0x0  }
0xbe: {  	[sflag:s2] =	ssyncadd.s32 $0xFFFFF000  }
0xbf: {  	_ =	swait.ge [sflag:s2], $0x1000  }
0xc0: {  	[sflag:s2] =	ssyncset.done $0x0  }
0xc1: {  	[sflag:s2] =	ssyncadd.s32 $0xFFFFF000  }
0xc2: {  	_ =	swait.ge [sflag:s2], $0x1000  }
0xc3: {  	[sflag:s2] =	ssyncset.done $0x0  }
0xc4: {  	[sflag:s2] =	ssyncadd.s32 $0xFFFFF000  }
0xc5: {  	_ =	swait.ge [sflag:s2], $0x1000  }
0xc6: {  	[sflag:s2] =	ssyncset.done $0x0  }
0xc7: {  	[sflag:s2] =	ssyncadd.s32 $0xFFFFF000  }
0xc8: {  	_ =	swait.ge [sflag:s2], $0x1000  }
0xc9: {  	[sflag:s2] =	ssyncset.done $0x0  }
0xca: {  	[sflag:s2] =	ssyncadd.s32 $0xFFFFF000  }
0xcb: {  	_ =	swait.ge [sflag:s2], $0x1000  }
0xcc: {  	[sflag:s2] =	ssyncset.done $0x0  }
0xcd: {  	p1 =	sne.s32 s31, $0x1;
	[sflag:s2] =	ssyncadd.s32 $0xFFFFF000  }
.Ltmp1:
0xce: {  	_ =	swait.ge [sflag:s2], $0x1000;
	(pc) =	sbr.rel @!p1 .LBB2_2-.Ltmp1, $4  }
0xcf: {  	[sflag:s2] =	ssyncset.done $0x0  }
0xd0: {  	[sflag:s2] =	ssyncadd.s32 $0xFFFFF000  }
0xd1: {  	s31 =	sadd.s32 $0xFFFFFFFF, s31;
	_ =	swait.ge [sflag:s2], $0x1000  }
0xd2: {  	p0 =	por $0x1, $0x1;
	s0 =	rddreg [dreg:$0x4];
	[sflag:s2] =	ssyncset.done $0x0  }
.LBB2_3:
0xd3: {  	[sflag:s2] =	ssyncadd.s32 $0xFFFFF000  }
0xd4: {  	[spmem:s15], [sflag:s3] =	dma.local [hbm:s0], $0x1000  }
0xd5: {  	s0 =	rddreg [dreg:$0x5]  }
0xd6: {  	[spmem:s6], [sflag:s3] =	dma.local [hbm:s0], $0x1000  }
0xd7: {  	_ =	swait.ge [sflag:s14], $0x1000  }
0xd8: {  	[sflag:s14] =	ssyncset.done $0x0  }
0xd9: {  	[sflag:s14] =	ssyncadd.s32 $0xFFFFF000  }
0xda: {  	[hbm:s28], [sflag:s30] =	dma.local [spmem:s15], $0x1000  }
0xdb: {  	s0 =	rddreg [dreg:$0x6]  }
0xdc: {  	[hbm:s0], [sflag:s30] =	dma.local [spmem:s15], $0x1000  }
0xdd: {  	s0 =	rddreg [dreg:$0x7]  }
0xde: {  	[hbm:s0], [sflag:s30] =	dma.local [spmem:s15], $0x1000  }
0xdf: {  	s0 =	rddreg [dreg:$0x8]  }
0xe0: {  	[hbm:s0], [sflag:s30] =	dma.local [spmem:s15], $0x1000  }
0xe1: {  	s0 =	rddreg [dreg:$0x9]  }
0xe2: {  	[spmem:s21], [sflag:s3] =	dma.local [hbm:s0], $0x1000  }
0xe3: {  	_ =	swait.ge [sflag:s14], $0x1000  }
0xe4: {  	[sflag:s14] =	ssyncset.done $0x0  }
0xe5: {  	s0 =	rddreg [dreg:$0xa];
	[sflag:s14] =	ssyncadd.s32 $0xFFFFF000  }
0xe6: {  	[hbm:s0], [sflag:s30] =	dma.local [spmem:s6], $0x1000  }
0xe7: {  	s0 =	rddreg [dreg:$0xb]  }
0xe8: {  	[hbm:s0], [sflag:s30] =	dma.local [spmem:s6], $0x1000  }
0xe9: {  	s0 =	rddreg [dreg:$0xc]  }
0xea: {  	[hbm:s0], [sflag:s30] =	dma.local [spmem:s6], $0x1000  }
0xeb: {  	s0 =	rddreg [dreg:$0xd]  }
0xec: {  	[hbm:s0], [sflag:s30] =	dma.local [spmem:s6], $0x1000  }
0xed: {  	_ =	swait.ge [sflag:s2], $0x1000  }
0xee: {  	[sflag:s2] =	ssyncset.done $0x0  }
0xef: {  	[sflag:s2] =	ssyncadd.s32 $0xFFFFF000  }
0xf0: {  	_ =	swait.ge [sflag:s2], $0x1000  }
0xf1: {  	[sflag:s2] =	ssyncset.done $0x0  }
0xf2: {  	[sflag:s2] =	ssyncadd.s32 $0xFFFFF000  }
0xf3: {  	_ =	swait.ge [sflag:s2], $0x1000  }
0xf4: {  	[sflag:s2] =	ssyncset.done $0x0  }
0xf5: {  	[sflag:s2] =	ssyncadd.s32 $0xFFFFF000  }
0xf6: {  	_ =	swait.ge [sflag:s2], $0x1000  }
0xf7: {  	[sflag:s2] =	ssyncset.done $0x0  }
0xf8: {  	s0 =	rddreg [dreg:$0xe];
	[sflag:s2] =	ssyncadd.s32 $0xFFFFF000  }
0xf9: {  	[spmem:s15], [sflag:s3] =	dma.local [hbm:s0], $0x1000  }
0xfa: {  	_ =	swait.ge [sflag:s14], $0x1000  }
0xfb: {  	[sflag:s14] =	ssyncset.done $0x0  }
0xfc: {  	s0 =	rddreg [dreg:$0xf];
	[sflag:s14] =	ssyncadd.s32 $0xFFFFF000  }
0xfd: {  	[hbm:s0], [sflag:s30] =	dma.local [spmem:s21], $0x1000  }
0xfe: {  	s0 =	rddreg [dreg:$0x10]  }
0xff: {  	[hbm:s0], [sflag:s30] =	dma.local [spmem:s21], $0x1000  }
0x100: {  	s0 =	rddreg [dreg:$0x11]  }
0x101: {  	[hbm:s0], [sflag:s30] =	dma.local [spmem:s21], $0x1000  }
0x102: {  	s0 =	rddreg [dreg:$0x12]  }
0x103: {  	[hbm:s0], [sflag:s30] =	dma.local [spmem:s21], $0x1000  }
0x104: {  	_ =	swait.ge [sflag:s2], $0x1000  }
0x105: {  	[sflag:s2] =	ssyncset.done $0x0  }
0x106: {  	[sflag:s2] =	ssyncadd.s32 $0xFFFFF000  }
0x107: {  	_ =	swait.ge [sflag:s2], $0x1000  }
0x108: {  	[sflag:s2] =	ssyncset.done $0x0  }
0x109: {  	[sflag:s2] =	ssyncadd.s32 $0xFFFFF000  }
0x10a: {  	_ =	swait.ge [sflag:s2], $0x1000  }
0x10b: {  	[sflag:s2] =	ssyncset.done $0x0  }
0x10c: {  	[sflag:s2] =	ssyncadd.s32 $0xFFFFF000  }
0x10d: {  	_ =	swait.ge [sflag:s2], $0x1000  }
0x10e: {  	[sflag:s2] =	ssyncset.done $0x0  }
0x10f: {  	s0 =	rddreg [dreg:$0x13];
	[sflag:s2] =	ssyncadd.s32 $0xFFFFF000  }
0x110: {  	[spmem:s6], [sflag:s3] =	dma.local [hbm:s0], $0x1000  }
0x111: {  	_ =	swait.ge [sflag:s14], $0x1000  }
0x112: {  	[sflag:s14] =	ssyncset.done $0x0  }
0x113: {  	s0 =	rddreg [dreg:$0x14];
	[sflag:s14] =	ssyncadd.s32 $0xFFFFF000  }
0x114: {  	[hbm:s0], [sflag:s30] =	dma.local [spmem:s15], $0x1000  }
0x115: {  	s0 =	rddreg [dreg:$0x15]  }
0x116: {  	[hbm:s0], [sflag:s30] =	dma.local [spmem:s15], $0x1000  }
0x117: {  	s0 =	rddreg [dreg:$0x16]  }
0x118: {  	[hbm:s0], [sflag:s30] =	dma.local [spmem:s15], $0x1000  }
0x119: {  	s0 =	rddreg [dreg:$0x17]  }
0x11a: {  	[hbm:s0], [sflag:s30] =	dma.local [spmem:s15], $0x1000  }
0x11b: {  	_ =	swait.ge [sflag:s2], $0x1000  }
0x11c: {  	[sflag:s2] =	ssyncset.done $0x0  }
0x11d: {  	[sflag:s2] =	ssyncadd.s32 $0xFFFFF000  }
0x11e: {  	_ =	swait.ge [sflag:s2], $0x1000  }
0x11f: {  	[sflag:s2] =	ssyncset.done $0x0  }
0x120: {  	[sflag:s2] =	ssyncadd.s32 $0xFFFFF000  }
0x121: {  	_ =	swait.ge [sflag:s2], $0x1000  }
0x122: {  	[sflag:s2] =	ssyncset.done $0x0  }
0x123: {  	[sflag:s2] =	ssyncadd.s32 $0xFFFFF000  }
0x124: {  	_ =	swait.ge [sflag:s2], $0x1000  }
0x125: {  	[sflag:s2] =	ssyncset.done $0x0  }
0x126: {  	[sflag:s2] =	ssyncadd.s32 $0xFFFFF000  }
0x127: {  	[spmem:s21], [sflag:s3] =	dma.local [hbm:s26], $0x1000  }
0x128: {  	_ =	swait.ge [sflag:s14], $0x1000  }
0x129: {  	[sflag:s14] =	ssyncset.done $0x0  }
0x12a: {  	[sflag:s14] =	ssyncadd.s32 $0xFFFFF000  }
0x12b: {  	[hbm:s22], [sflag:s30] =	dma.local [spmem:s6], $0x1000  }
0x12c: {  	[hbm:s23], [sflag:s30] =	dma.local [spmem:s6], $0x1000  }
0x12d: {  	[hbm:s24], [sflag:s30] =	dma.local [spmem:s6], $0x1000  }
0x12e: {  	[hbm:s25], [sflag:s30] =	dma.local [spmem:s6], $0x1000  }
0x12f: {  	_ =	swait.ge [sflag:s2], $0x1000  }
0x130: {  	[sflag:s2] =	ssyncset.done $0x0  }
0x131: {  	[sflag:s2] =	ssyncadd.s32 $0xFFFFF000  }
0x132: {  	_ =	swait.ge [sflag:s2], $0x1000  }
0x133: {  	[sflag:s2] =	ssyncset.done $0x0  }
0x134: {  	[sflag:s2] =	ssyncadd.s32 $0xFFFFF000  }
0x135: {  	_ =	swait.ge [sflag:s2], $0x1000  }
0x136: {  	[sflag:s2] =	ssyncset.done $0x0  }
0x137: {  	[sflag:s2] =	ssyncadd.s32 $0xFFFFF000  }
0x138: {  	_ =	swait.ge [sflag:s2], $0x1000  }
0x139: {  	[sflag:s2] =	ssyncset.done $0x0  }
0x13a: {  	[sflag:s2] =	ssyncadd.s32 $0xFFFFF000  }
0x13b: {  	[spmem:s15], [sflag:s3] =	dma.local [hbm:s20], $0x1000  }
0x13c: {  	_ =	swait.ge [sflag:s14], $0x1000  }
0x13d: {  	[sflag:s14] =	ssyncset.done $0x0  }
0x13e: {  	[sflag:s14] =	ssyncadd.s32 $0xFFFFF000  }
0x13f: {  	[hbm:s16], [sflag:s30] =	dma.local [spmem:s21], $0x1000  }
0x140: {  	[hbm:s17], [sflag:s30] =	dma.local [spmem:s21], $0x1000  }
0x141: {  	[hbm:s18], [sflag:s30] =	dma.local [spmem:s21], $0x1000  }
0x142: {  	[hbm:s19], [sflag:s30] =	dma.local [spmem:s21], $0x1000  }
0x143: {  	_ =	swait.ge [sflag:s2], $0x1000  }
0x144: {  	[sflag:s2] =	ssyncset.done $0x0  }
0x145: {  	[sflag:s2] =	ssyncadd.s32 $0xFFFFF000  }
0x146: {  	_ =	swait.ge [sflag:s2], $0x1000  }
0x147: {  	[sflag:s2] =	ssyncset.done $0x0  }
0x148: {  	[sflag:s2] =	ssyncadd.s32 $0xFFFFF000  }
0x149: {  	_ =	swait.ge [sflag:s2], $0x1000  }
0x14a: {  	[sflag:s2] =	ssyncset.done $0x0  }
0x14b: {  	[sflag:s2] =	ssyncadd.s32 $0xFFFFF000  }
0x14c: {  	_ =	swait.ge [sflag:s2], $0x1000  }
0x14d: {  	[sflag:s2] =	ssyncset.done $0x0  }
0x14e: {  	[sflag:s2] =	ssyncadd.s32 $0xFFFFF000  }
0x14f: {  	[spmem:s6], [sflag:s3] =	dma.local [hbm:s11], $0x1000  }
0x150: {  	_ =	swait.ge [sflag:s14], $0x1000  }
0x151: {  	[sflag:s14] =	ssyncset.done $0x0  }
0x152: {  	[sflag:s14] =	ssyncadd.s32 $0xFFFFF000  }
0x153: {  	[hbm:s7], [sflag:s30] =	dma.local [spmem:s15], $0x1000  }
0x154: {  	[hbm:s8], [sflag:s30] =	dma.local [spmem:s15], $0x1000  }
0x155: {  	[hbm:s9], [sflag:s30] =	dma.local [spmem:s15], $0x1000  }
0x156: {  	[hbm:s10], [sflag:s30] =	dma.local [spmem:s15], $0x1000  }
0x157: {  	_ =	swait.ge [sflag:s14], $0x1000  }
0x158: {  	[sflag:s14] =	ssyncset.done $0x0  }
0x159: {  	[sflag:s14] =	ssyncadd.s32 $0xFFFFF000  }
0x15a: {  	[hbm:s4], [sflag:s30] =	dma.local [spmem:s6], $0x1000  }
0x15b: {  	[hbm:s5], [sflag:s30] =	dma.local [spmem:s6], $0x1000  }
0x15c: {  	[hbm:s12], [sflag:s30] =	dma.local [spmem:s6], $0x1000  }
0x15d: {  	[hbm:s13], [sflag:s30] =	dma.local [spmem:s6], $0x1000  }
0x15e: {  	_ =	swait.ge [sflag:s2], $0x1000  }
0x15f: {  	[sflag:s2] =	ssyncset.done $0x0  }
0x160: {  	[sflag:s2] =	ssyncadd.s32 $0xFFFFF000  }
0x161: {  	_ =	swait.ge [sflag:s2], $0x1000  }
0x162: {  	[sflag:s2] =	ssyncset.done $0x0  }
0x163: {  	[sflag:s2] =	ssyncadd.s32 $0xFFFFF000  }
0x164: {  	_ =	swait.ge [sflag:s2], $0x1000  }
0x165: {  	[sflag:s2] =	ssyncset.done $0x0  }
0x166: {  	[sflag:s2] =	ssyncadd.s32 $0xFFFFF000  }
0x167: {  	_ =	swait.ge [sflag:s2], $0x1000  }
0x168: {  	[sflag:s2] =	ssyncset.done $0x0  }
0x169: {  	[sflag:s2] =	ssyncadd.s32 $0xFFFFF000  }
0x16a: {  	_ =	swait.ge [sflag:s2], $0x1000  }
0x16b: {  	[sflag:s2] =	ssyncset.done $0x0  }
0x16c: {  	[sflag:s2] =	ssyncadd.s32 $0xFFFFF000  }
0x16d: {  	_ =	swait.ge [sflag:s2], $0x1000  }
0x16e: {  	[sflag:s2] =	ssyncset.done $0x0  }
0x16f: {  	[sflag:s2] =	ssyncadd.s32 $0xFFFFF000  }
0x170: {  	_ =	swait.ge [sflag:s2], $0x1000  }
0x171: {  	[sflag:s2] =	ssyncset.done $0x0  }
0x172: {  	[sflag:s2] =	ssyncadd.s32 $0xFFFFF000  }
0x173: {  	_ =	swait.ge [sflag:s2], $0x1000  }
0x174: {  	[sflag:s2] =	ssyncset.done $0x0  }
0x175: {  	[sflag:s2] =	ssyncadd.s32 $0xFFFFF000  }
0x176: {  	_ =	swait.ge [sflag:s2], $0x1000  }
0x177: {  	[sflag:s2] =	ssyncset.done $0x0  }
0x178: {  	[sflag:s2] =	ssyncadd.s32 $0xFFFFF000  }
0x179: {  	_ =	swait.ge [sflag:s2], $0x1000  }
0x17a: {  	[sflag:s2] =	ssyncset.done $0x0  }
0x17b: {  	p1 =	sne.s32 s31, $0x1;
	[sflag:s2] =	ssyncadd.s32 $0xFFFFF000  }
.Ltmp2:
0x17c: {  	_ =	swait.ge [sflag:s2], $0x1000;
	(pc) =	sbr.rel @p1 .LBB2_3-.Ltmp2, $4  }
0x17d: {  	[sflag:s2] =	ssyncset.done $0x0  }
0x17e: {  	[sflag:s2] =	ssyncadd.s32 $0xFFFFF000  }
0x17f: {  	_ =	swait.ge [sflag:s2], $0x1000  }
0x180: {  	s31 =	sadd.s32 $0xFFFFFFFF, s31;
	s0 =	rddreg [dreg:$0x4];
	[sflag:s2] =	ssyncset.done $0x0  }
0x181: {  	s30 =	rddreg [dreg:$0x3]  }
.LBB2_5:
0x182: {  	[sflag:s2] =	ssyncadd.s32 @p0 $0xFFFFF000  }
0x183: {  	[spmem:s15], [sflag:s3] =	dma.local [hbm:s0], $0x1000  }
0x184: {  	s0 =	rddreg [dreg:$0x5]  }
0x185: {  	[spmem:s6], [sflag:s3] =	dma.local [hbm:s0], $0x1000  }
0x186: {  	_ =	swait.ge [sflag:s14], $0x1000  }
0x187: {  	[sflag:s14] =	ssyncset.done $0x0  }
0x188: {  	s29 =	sor.u32 $0x1C02, s29;
	[sflag:s14] =	ssyncadd.s32 $0xFFFFF000  }
0x189: {  	[hbm:s28], [sflag:s29] =	dma.local [spmem:s15], $0x1000  }
0x18a: {  	s28 =	rddreg [dreg:$0x6]  }
0x18b: {  	[hbm:s28], [sflag:s29] =	dma.local [spmem:s15], $0x1000  }
0x18c: {  	s0 =	rddreg [dreg:$0x7]  }
0x18d: {  	[hbm:s0], [sflag:s29] =	dma.local [spmem:s15], $0x1000  }
0x18e: {  	s0 =	rddreg [dreg:$0x8]  }
0x18f: {  	[hbm:s0], [sflag:s29] =	dma.local [spmem:s15], $0x1000  }
0x190: {  	s0 =	rddreg [dreg:$0x9]  }
0x191: {  	[spmem:s21], [sflag:s3] =	dma.local [hbm:s0], $0x1000  }
0x192: {  	_ =	swait.ge [sflag:s14], $0x1000  }
0x193: {  	[sflag:s14] =	ssyncset.done $0x0  }
0x194: {  	s31 =	rddreg [dreg:$0xa];
	[sflag:s14] =	ssyncadd.s32 $0xFFFFF000  }
0x195: {  	[hbm:s31], [sflag:s29] =	dma.local [spmem:s6], $0x1000  }
0x196: {  	s0 =	rddreg [dreg:$0xb]  }
0x197: {  	[hbm:s0], [sflag:s29] =	dma.local [spmem:s6], $0x1000  }
0x198: {  	s0 =	rddreg [dreg:$0xc]  }
0x199: {  	[hbm:s0], [sflag:s29] =	dma.local [spmem:s6], $0x1000  }
0x19a: {  	s0 =	rddreg [dreg:$0xd]  }
0x19b: {  	[hbm:s0], [sflag:s29] =	dma.local [spmem:s6], $0x1000  }
0x19c: {  	_ =	swait.ge [sflag:s2], $0x1000  }
0x19d: {  	[sflag:s2] =	ssyncset.done $0x0  }
0x19e: {  	[sflag:s2] =	ssyncadd.s32 $0xFFFFF000  }
0x19f: {  	_ =	swait.ge [sflag:s2], $0x1000  }
0x1a0: {  	[sflag:s2] =	ssyncset.done $0x0  }
0x1a1: {  	[sflag:s2] =	ssyncadd.s32 $0xFFFFF000  }
0x1a2: {  	_ =	swait.ge [sflag:s2], $0x1000  }
0x1a3: {  	[sflag:s2] =	ssyncset.done $0x0  }
0x1a4: {  	[sflag:s2] =	ssyncadd.s32 $0xFFFFF000  }
0x1a5: {  	_ =	swait.ge [sflag:s2], $0x1000  }
0x1a6: {  	[sflag:s2] =	ssyncset.done $0x0  }
0x1a7: {  	s28 =	rddreg [dreg:$0xe];
	[sflag:s2] =	ssyncadd.s32 $0xFFFFF000  }
0x1a8: {  	[spmem:s15], [sflag:s3] =	dma.local [hbm:s28], $0x1000  }
0x1a9: {  	_ =	swait.ge [sflag:s14], $0x1000  }
0x1aa: {  	[sflag:s14] =	ssyncset.done $0x0  }
0x1ab: {  	s31 =	rddreg [dreg:$0xf];
	[sflag:s14] =	ssyncadd.s32 $0xFFFFF000  }
0x1ac: {  	[hbm:s31], [sflag:s29] =	dma.local [spmem:s21], $0x1000  }
0x1ad: {  	s0 =	rddreg [dreg:$0x10]  }
0x1ae: {  	[hbm:s0], [sflag:s29] =	dma.local [spmem:s21], $0x1000  }
0x1af: {  	s0 =	rddreg [dreg:$0x11]  }
0x1b0: {  	[hbm:s0], [sflag:s29] =	dma.local [spmem:s21], $0x1000  }
0x1b1: {  	s0 =	rddreg [dreg:$0x12]  }
0x1b2: {  	[hbm:s0], [sflag:s29] =	dma.local [spmem:s21], $0x1000  }
0x1b3: {  	_ =	swait.ge [sflag:s2], $0x1000  }
0x1b4: {  	[sflag:s2] =	ssyncset.done $0x0  }
0x1b5: {  	[sflag:s2] =	ssyncadd.s32 $0xFFFFF000  }
0x1b6: {  	_ =	swait.ge [sflag:s2], $0x1000  }
0x1b7: {  	[sflag:s2] =	ssyncset.done $0x0  }
0x1b8: {  	[sflag:s2] =	ssyncadd.s32 $0xFFFFF000  }
0x1b9: {  	_ =	swait.ge [sflag:s2], $0x1000  }
0x1ba: {  	[sflag:s2] =	ssyncset.done $0x0  }
0x1bb: {  	[sflag:s2] =	ssyncadd.s32 $0xFFFFF000  }
0x1bc: {  	_ =	swait.ge [sflag:s2], $0x1000  }
0x1bd: {  	[sflag:s2] =	ssyncset.done $0x0  }
0x1be: {  	s28 =	rddreg [dreg:$0x13];
	[sflag:s2] =	ssyncadd.s32 $0xFFFFF000  }
0x1bf: {  	[spmem:s6], [sflag:s3] =	dma.local [hbm:s28], $0x1000  }
0x1c0: {  	_ =	swait.ge [sflag:s14], $0x1000  }
0x1c1: {  	[sflag:s14] =	ssyncset.done $0x0  }
0x1c2: {  	s31 =	rddreg [dreg:$0x14];
	[sflag:s14] =	ssyncadd.s32 $0xFFFFF000  }
0x1c3: {  	[hbm:s31], [sflag:s29] =	dma.local [spmem:s15], $0x1000  }
0x1c4: {  	s0 =	rddreg [dreg:$0x15]  }
0x1c5: {  	[hbm:s0], [sflag:s29] =	dma.local [spmem:s15], $0x1000  }
0x1c6: {  	s0 =	rddreg [dreg:$0x16]  }
0x1c7: {  	[hbm:s0], [sflag:s29] =	dma.local [spmem:s15], $0x1000  }
0x1c8: {  	s0 =	rddreg [dreg:$0x17]  }
0x1c9: {  	[hbm:s0], [sflag:s29] =	dma.local [spmem:s15], $0x1000  }
0x1ca: {  	_ =	swait.ge [sflag:s2], $0x1000  }
0x1cb: {  	[sflag:s2] =	ssyncset.done $0x0  }
0x1cc: {  	[sflag:s2] =	ssyncadd.s32 $0xFFFFF000  }
0x1cd: {  	_ =	swait.ge [sflag:s2], $0x1000  }
0x1ce: {  	[sflag:s2] =	ssyncset.done $0x0  }
0x1cf: {  	[sflag:s2] =	ssyncadd.s32 $0xFFFFF000  }
0x1d0: {  	_ =	swait.ge [sflag:s2], $0x1000  }
0x1d1: {  	[sflag:s2] =	ssyncset.done $0x0  }
0x1d2: {  	[sflag:s2] =	ssyncadd.s32 $0xFFFFF000  }
0x1d3: {  	_ =	swait.ge [sflag:s2], $0x1000  }
0x1d4: {  	[sflag:s2] =	ssyncset.done $0x0  }
0x1d5: {  	[sflag:s2] =	ssyncadd.s32 $0xFFFFF000  }
0x1d6: {  	[spmem:s21], [sflag:s3] =	dma.local [hbm:s26], $0x1000  }
0x1d7: {  	_ =	swait.ge [sflag:s14], $0x1000  }
0x1d8: {  	[sflag:s14] =	ssyncset.done $0x0  }
0x1d9: {  	[sflag:s14] =	ssyncadd.s32 $0xFFFFF000  }
0x1da: {  	[hbm:s22], [sflag:s29] =	dma.local [spmem:s6], $0x1000  }
0x1db: {  	[hbm:s23], [sflag:s29] =	dma.local [spmem:s6], $0x1000  }
0x1dc: {  	[hbm:s24], [sflag:s29] =	dma.local [spmem:s6], $0x1000  }
0x1dd: {  	[hbm:s25], [sflag:s29] =	dma.local [spmem:s6], $0x1000  }
0x1de: {  	_ =	swait.ge [sflag:s2], $0x1000  }
0x1df: {  	[sflag:s2] =	ssyncset.done $0x0  }
0x1e0: {  	[sflag:s2] =	ssyncadd.s32 $0xFFFFF000  }
0x1e1: {  	_ =	swait.ge [sflag:s2], $0x1000  }
0x1e2: {  	[sflag:s2] =	ssyncset.done $0x0  }
0x1e3: {  	[sflag:s2] =	ssyncadd.s32 $0xFFFFF000  }
0x1e4: {  	_ =	swait.ge [sflag:s2], $0x1000  }
0x1e5: {  	[sflag:s2] =	ssyncset.done $0x0  }
0x1e6: {  	[sflag:s2] =	ssyncadd.s32 $0xFFFFF000  }
0x1e7: {  	_ =	swait.ge [sflag:s2], $0x1000  }
0x1e8: {  	[sflag:s2] =	ssyncset.done $0x0  }
0x1e9: {  	[sflag:s2] =	ssyncadd.s32 $0xFFFFF000  }
0x1ea: {  	[spmem:s15], [sflag:s3] =	dma.local [hbm:s20], $0x1000  }
0x1eb: {  	_ =	swait.ge [sflag:s14], $0x1000  }
0x1ec: {  	[sflag:s14] =	ssyncset.done $0x0  }
0x1ed: {  	[sflag:s14] =	ssyncadd.s32 $0xFFFFF000  }
0x1ee: {  	[hbm:s16], [sflag:s29] =	dma.local [spmem:s21], $0x1000  }
0x1ef: {  	[hbm:s17], [sflag:s29] =	dma.local [spmem:s21], $0x1000  }
0x1f0: {  	[hbm:s18], [sflag:s29] =	dma.local [spmem:s21], $0x1000  }
0x1f1: {  	[hbm:s19], [sflag:s29] =	dma.local [spmem:s21], $0x1000  }
0x1f2: {  	_ =	swait.ge [sflag:s2], $0x1000  }
0x1f3: {  	[sflag:s2] =	ssyncset.done $0x0  }
0x1f4: {  	[sflag:s2] =	ssyncadd.s32 $0xFFFFF000  }
0x1f5: {  	_ =	swait.ge [sflag:s2], $0x1000  }
0x1f6: {  	[sflag:s2] =	ssyncset.done $0x0  }
0x1f7: {  	[sflag:s2] =	ssyncadd.s32 $0xFFFFF000  }
0x1f8: {  	_ =	swait.ge [sflag:s2], $0x1000  }
0x1f9: {  	[sflag:s2] =	ssyncset.done $0x0  }
0x1fa: {  	[sflag:s2] =	ssyncadd.s32 $0xFFFFF000  }
0x1fb: {  	_ =	swait.ge [sflag:s2], $0x1000  }
0x1fc: {  	[sflag:s2] =	ssyncset.done $0x0  }
0x1fd: {  	[sflag:s2] =	ssyncadd.s32 $0xFFFFF000  }
0x1fe: {  	[spmem:s6], [sflag:s3] =	dma.local [hbm:s11], $0x1000  }
0x1ff: {  	_ =	swait.ge [sflag:s14], $0x1000  }
0x200: {  	[sflag:s14] =	ssyncset.done $0x0  }
0x201: {  	[sflag:s14] =	ssyncadd.s32 $0xFFFFF000  }
0x202: {  	[hbm:s7], [sflag:s29] =	dma.local [spmem:s15], $0x1000  }
0x203: {  	[hbm:s8], [sflag:s29] =	dma.local [spmem:s15], $0x1000  }
0x204: {  	[hbm:s9], [sflag:s29] =	dma.local [spmem:s15], $0x1000  }
0x205: {  	[hbm:s10], [sflag:s29] =	dma.local [spmem:s15], $0x1000  }
0x206: {  	_ =	swait.ge [sflag:s14], $0x1000  }
0x207: {  	[sflag:s14] =	ssyncset.done $0x0  }
0x208: {  	[sflag:s14] =	ssyncadd.s32 $0xFFFFF000  }
0x209: {  	[hbm:s4], [sflag:s29] =	dma.local [spmem:s6], $0x1000  }
0x20a: {  	[hbm:s5], [sflag:s29] =	dma.local [spmem:s6], $0x1000  }
0x20b: {  	[hbm:s12], [sflag:s29] =	dma.local [spmem:s6], $0x1000  }
0x20c: {  	[hbm:s13], [sflag:s29] =	dma.local [spmem:s6], $0x1000  }
0x20d: {  	_ =	swait.ge [sflag:s2], $0x1000  }
0x20e: {  	[sflag:s2] =	ssyncset.done $0x0  }
0x20f: {  	[sflag:s2] =	ssyncadd.s32 $0xFFFFF000  }
0x210: {  	_ =	swait.ge [sflag:s2], $0x1000  }
0x211: {  	[sflag:s2] =	ssyncset.done $0x0  }
0x212: {  	[sflag:s2] =	ssyncadd.s32 $0xFFFFF000  }
0x213: {  	_ =	swait.ge [sflag:s2], $0x1000  }
0x214: {  	[sflag:s2] =	ssyncset.done $0x0  }
0x215: {  	[sflag:s2] =	ssyncadd.s32 $0xFFFFF000  }
0x216: {  	_ =	swait.ge [sflag:s2], $0x1000  }
0x217: {  	[sflag:s2] =	ssyncset.done $0x0  }
0x218: {  	[sflag:s2] =	ssyncadd.s32 $0xFFFFF000  }
0x219: {  	_ =	swait.ge [sflag:s2], $0x1000  }
0x21a: {  	[sflag:s2] =	ssyncset.done $0x0  }
0x21b: {  	[sflag:s2] =	ssyncadd.s32 $0xFFFFF000  }
0x21c: {  	_ =	swait.ge [sflag:s2], $0x1000  }
0x21d: {  	[sflag:s2] =	ssyncset.done $0x0  }
0x21e: {  	[sflag:s2] =	ssyncadd.s32 $0xFFFFF000  }
0x21f: {  	_ =	swait.ge [sflag:s2], $0x1000  }
0x220: {  	[sflag:s2] =	ssyncset.done $0x0  }
0x221: {  	[sflag:s2] =	ssyncadd.s32 $0xFFFFF000  }
0x222: {  	_ =	swait.ge [sflag:s2], $0x1000  }
0x223: {  	[sflag:s2] =	ssyncset.done $0x0  }
0x224: {  	[sflag:s2] =	ssyncadd.s32 $0xFFFFF000  }
0x225: {  	_ =	swait.ge [sflag:s2], $0x1000  }
0x226: {  	[sflag:s2] =	ssyncset.done $0x0  }
0x227: {  	[sflag:s2] =	ssyncadd.s32 $0xFFFFF000  }
0x228: {  	_ =	swait.ge [sflag:s2], $0x1000  }
0x229: {  	[sflag:s2] =	ssyncset.done $0x0  }
0x22a: {  	[sflag:s2] =	ssyncadd.s32 $0xFFFFF000  }
0x22b: {  	_ =	swait.ge [sflag:s2], $0x1000  }
0x22c: {  	[sflag:s2] =	ssyncset.done $0x0  }
0x22d: {  	[sflag:s2] =	ssyncadd.s32 $0xFFFFF000  }
0x22e: {  	_ =	swait.ge [sflag:s2], $0x1000  }
0x22f: {  	[sflag:s2] =	ssyncset.done $0x0  }
0x230: {  	[sflag:s2] =	ssyncadd.s32 $0xFFFFF000  }
0x231: {  	_ =	sfence.sel $0x180000  }
0x232: {  	[bflag:$0x0] =	sbarrier.arrive $0xFFFF  }
0x233: {  	p0 =	sne.s32 s1, $0x0;
	_ =	strace $0x90000047  }
0x234: {  	s0 =	sadd.s32 @!p0 $0x100000, s30;
	[bflag:$0x2] =	sbarrier.arrive $0xFFFF  }
0x235: {  	[sflag:s0] =	ssyncadd.tile.s32 @!p0 $0x1;
	_ =	shalt  }
.LBB2_2:
.Ltmp3:
0x236: {  	(pc) =	sbr.rel .LBB2_5-.Ltmp3, $2  }
0x237: {  	_ =	sdelay $0x2  }
0x238: {  	s30 =	rddreg [dreg:$0x3]  }
.Lfunc_end2:
_tile_overlayer_lowered:
.L_overlay_start_2:
0x239: {  	(tag) =	ssettag $0x2  }
0x23a: {  	s0 =	rddreg [dreg:$0x0];
	s2 =	stileid.u32  }
0x23b: {  	s1 =	rddreg [dreg:$0x1];
	p0 =	sne.s32 s2, $0x0  }
0x23c: {  	s3 =	rddreg [dreg:$0x2];
	[bflag:$0x3] =	sbarrier.arrive $0xFFFF;
	s2 =	simm.s32 @!p0 $0x1C03  }
0x23d: {  	[timem:s3], [sflag:s2] =	dma.local @!p0 [hbm:s0], s1  }
0x23e: {  	s0 =	simm.s32 @!p0 $0x3  }
0x23f: {  	_ =	swait.ge @!p0 [sflag:s0], s1  }
0x240: {  	s1 =	ssub.s32 @!p0 $0x0, s1;
	[sflag:s0] =	ssyncset.done @!p0 $0x0  }
0x241: {  	[sflag:s0] =	ssyncadd.s32 @!p0 s1  }
0x242: {  	[bflag:$0x3] =	sbarrier.arrive $0xFFFF  }
0x243: {  	_ =	shalt  }

</sc_bundles>
